<compile_context>
chip_gen: v7x
topology: tpu7x:2x2x1
jax: 0.10.2.dev20260603
libtpu: 0.0.44.dev20260713+nightly
codegen_flags: <defaults>
</compile_context>

<pallas_src>
import functools

import jax
import jax.numpy as jnp
from jax import lax
from jax.experimental import pallas as pl
from jax.experimental.pallas import tpu as pltpu
from jax.experimental.pallas import tpu_sc as plsc

N_NODES = 10000
N_EDGES = 320000
D_FEAT = 128
OUT_DIM = 128

NC = 2
NS = 16
CHUNK = 128
NBUF = 2
N_CHUNKS = 2560
GROUP = 8
E_PAD = N_CHUNKS * CHUNK
ACC_ROWS = 10240
ROWS_PER_TILE = ACC_ROWS // NS
DUMMY_ROW = N_NODES

Q0 = 120
Q1 = 40


def _run_range(h_hbm, sidx_hbm, didx_hbm, sidxg, didxg, rows,
               sems, semis, semid, acc, chunk0, nchunks):
    ngroups = nchunks // GROUP
    pltpu.sync_copy(sidx_hbm.at[pl.ds(chunk0, GROUP)], sidxg.at[0])
    pltpu.sync_copy(didx_hbm.at[pl.ds(chunk0, GROUP)], didxg.at[0])
    pltpu.async_copy(
        sidx_hbm.at[pl.ds(chunk0 + GROUP, GROUP)], sidxg.at[1], semis)
    pltpu.async_copy(
        didx_hbm.at[pl.ds(chunk0 + GROUP, GROUP)], didxg.at[1], semid)

    for b in range(NBUF):
        pltpu.async_copy(h_hbm.at[sidxg.at[0, b]], rows.at[b], sems.at[b])

    def chunk_step(j, carry):
        pb = j % NBUF
        g = j // GROUP
        pltpu.make_async_copy(
            h_hbm.at[sidxg.at[0, 0]], rows.at[pb], sems.at[pb]).wait()
        pltpu.sync_copy(rows.at[pb], acc.at[didxg.at[g % 2, j % GROUP]],
                        add=True)

        @pl.when((j % GROUP == GROUP - NBUF) & (j + NBUF < nchunks))
        def _():
            pltpu.make_async_copy(
                sidx_hbm.at[pl.ds(chunk0, GROUP)],
                sidxg.at[(g + 1) % 2], semis).wait()
            pltpu.make_async_copy(
                didx_hbm.at[pl.ds(chunk0, GROUP)],
                didxg.at[(g + 1) % 2], semid).wait()

        @pl.when(j + NBUF < nchunks)
        def _():
            jn = j + NBUF
            pltpu.async_copy(
                h_hbm.at[sidxg.at[(jn // GROUP) % 2, jn % GROUP]],
                rows.at[pb], sems.at[pb])

        @pl.when((j % GROUP == GROUP - 1) & (g + 2 < ngroups))
        def _():
            nxt = chunk0 + (g + 2) * GROUP
            pltpu.async_copy(
                sidx_hbm.at[pl.ds(nxt, GROUP)], sidxg.at[g % 2], semis)
            pltpu.async_copy(
                didx_hbm.at[pl.ds(nxt, GROUP)], didxg.at[g % 2], semid)
        return carry

    lax.fori_loop(0, nchunks, chunk_step, 0)


def _sc_body(h_hbm, zeros_hbm, sidx_hbm, didx_hbm, out_hbm,
             sidxg, didxg, rows, acc, sems, semis, semid):
    cid = lax.axis_index("c")
    sid = lax.axis_index("s")

    base = sid * ROWS_PER_TILE
    pltpu.sync_copy(zeros_hbm, acc.at[pl.ds(base, ROWS_PER_TILE)])
    plsc.subcore_barrier()

    chunk0 = jnp.where(cid == 0, sid * Q0, NS * Q0 + sid * Q1)
    nchunks = jnp.where(cid == 0, Q0, Q1)

    @pl.when(nchunks > 0)
    def _():
        _run_range(h_hbm, sidx_hbm, didx_hbm, sidxg, didxg, rows,
                   sems, semis, semid, acc, chunk0, nchunks)
    plsc.subcore_barrier()

    pltpu.sync_copy(acc.at[pl.ds(base, ROWS_PER_TILE)],
                    out_hbm.at[pl.ds(cid * ACC_ROWS + base, ROWS_PER_TILE)])


@functools.cache
def _sc_aggregate():
    return pl.kernel(
        _sc_body,
        out_type=jax.ShapeDtypeStruct((NC * ACC_ROWS, D_FEAT), jnp.float32),
        mesh=plsc.VectorSubcoreMesh(core_axis_name="c", subcore_axis_name="s"),
        scratch_types=[
            pltpu.VMEM((2, GROUP, CHUNK), jnp.int32),
            pltpu.VMEM((2, GROUP, CHUNK), jnp.int32),
            pltpu.VMEM((NBUF, CHUNK, D_FEAT), jnp.float32),
            pltpu.VMEM_SHARED((ACC_ROWS, D_FEAT), jnp.float32),
            pltpu.SemaphoreType.DMA((NBUF,)),
            pltpu.SemaphoreType.DMA,
            pltpu.SemaphoreType.DMA,
        ],
    )


def _mm_body(p_ref, w_ref, o_ref):
    a = p_ref[0] + p_ref[1]
    o_ref[...] = jnp.dot(a, w_ref[...],
                         preferred_element_type=jnp.float32,
                         precision=jax.lax.Precision.HIGHEST)


def _tc_matmul(partial, w_t):
    blk = 1000
    return pl.pallas_call(
        _mm_body,
        grid=(N_NODES // blk,),
        in_specs=[
            pl.BlockSpec((2, blk, D_FEAT), lambda i: (0, i, 0)),
            pl.BlockSpec((D_FEAT, OUT_DIM), lambda i: (0, 0)),
        ],
        out_specs=pl.BlockSpec((blk, OUT_DIM), lambda i: (i, 0)),
        out_shape=jax.ShapeDtypeStruct((N_NODES, OUT_DIM), jnp.float32),
    )(partial, w_t)


def kernel(h, edge_index, edge_types, W_attn, W_lin):
    src = edge_index[0].astype(jnp.int32)
    dst = edge_index[1].astype(jnp.int32)
    pad = E_PAD - N_EDGES
    src2 = jnp.concatenate(
        [src, jnp.zeros((pad,), jnp.int32)]).reshape(N_CHUNKS, CHUNK)
    pad_dst = DUMMY_ROW + jnp.arange(pad, dtype=jnp.int32) % (
        ACC_ROWS - N_NODES)
    dst2 = jnp.concatenate([dst, pad_dst]).reshape(N_CHUNKS, CHUNK)
    zeros = jnp.zeros((ROWS_PER_TILE, D_FEAT), jnp.float32)

    partial = _sc_aggregate()(h, zeros, src2, dst2)
    return _tc_matmul(partial.reshape(NC, ACC_ROWS, D_FEAT), W_lin.T)

# --- scband reference (transcript-rebuilt; emitter-appended) ---
"""Pipeline reference for scband-sem-level-gat-67439576482331 (READ-ONLY COPY).

The authoritative reference and input builder live on the scoring server;
editing this copy changes nothing except your own understanding.
"""

import jax, jax.numpy as jnp
import numpy as np

N_NODES = 10000
N_EDGES = 320000
D_FEAT = 128
D_EDGE = 16
OUT_DIM = 128


def setup_inputs(seed: int = 0) -> dict:
    key = jax.random.key(seed)
    k1, k2, k3, k4, k5 = jax.random.split(key, 5)
    h = jax.random.normal(k1, (N_NODES, D_FEAT), dtype=jnp.float32)
    edge_index = jax.random.randint(k2, (2, N_EDGES), 0, N_NODES, dtype=jnp.int64)
    edge_types = jax.random.normal(k3, (N_EDGES, D_EDGE), dtype=jnp.float32)
    # learned parameters (nn.Linear with bias=False stores weight of shape [out, in])
    W_attn = jax.random.normal(k4, (1, D_EDGE), dtype=jnp.float32) * (1.0 / np.sqrt(D_EDGE))
    W_lin = jax.random.normal(k5, (OUT_DIM, D_FEAT), dtype=jnp.float32) * (1.0 / np.sqrt(D_FEAT))
    return {"h": h, "edge_index": edge_index, "edge_types": edge_types, "W_attn": W_attn, "W_lin": W_lin}


def reference(h, edge_index, edge_types, W_attn, W_lin):
    N = h.shape[0]
    src = edge_index[0]
    dst = edge_index[1]
    # edge_weight: a = attn_fc(edge_types); e_type_tanh = tanh(a)  -> [E, 1]
    a = edge_types @ W_attn.T
    e_type_tanh = jnp.tanh(a)
    # reduce_func: sum_tanh = sum over mailbox (incoming edges per dst node) -> [N, 1]
    sum_tanh = jax.ops.segment_sum(e_type_tanh, dst, num_segments=N)
    # e_type_w = sum_tanh / len(nodes)
    e_type_w = sum_tanh / N
    # beta = softmax over dim=1 (singleton dim -> all ones, kept for faithfulness)
    beta = jax.nn.softmax(e_type_w, axis=1)  # [N, 1]
    # message: z_node_lv of src; reduce: h = sum(beta * mailbox, dim=1)
    msg = jnp.take(h, src, axis=0)  # [E, D_FEAT] gather
    agg = jax.ops.segment_sum(msg, dst, num_segments=N)  # [N, D_FEAT] scatter-add
    h_red = beta * agg
    # z_final = linear(h)
    z_final = h_red @ W_lin.T
    return z_final


if False:  # reference __main__ guard neutralized (emitter)
    inp = setup_inputs()
    out = reference(**inp)
    print(out.shape, out.dtype)

if __name__ == "__main__":
    import jax
    _d = setup_inputs()
    print(jax.jit(kernel)(*tuple(_d.values())))

</pallas_src>

<mosaic_0001>
#map = affine_map<(d0, d1) -> (0, 0)>
module attributes {stable_mosaic.version = 14 : i64} {
  func.func @_sc_body(%arg0: i32, %arg1: i32, %arg2: memref<10000x128xf32, #tpu.memory_space<hbm>>, %arg3: memref<640x128xf32, #tpu.memory_space<hbm>>, %arg4: memref<2560x128xi32, #tpu.memory_space<hbm>>, %arg5: memref<2560x128xi32, #tpu.memory_space<hbm>>, %arg6: memref<20480x128xf32, #tpu.memory_space<hbm>>, %arg7: memref<2x8x128xi32, #tpu.memory_space<vmem>>, %arg8: memref<2x8x128xi32, #tpu.memory_space<vmem>>, %arg9: memref<2x128x128xf32, #tpu.memory_space<vmem>>, %arg10: memref<10240x128xf32, #tpu.memory_space<vmem_shared>>, %arg11: memref<2x!tpu.dma_semaphore, #tpu.memory_space<semaphore_mem>>, %arg12: memref<!tpu.dma_semaphore, #tpu.memory_space<semaphore_mem>>, %arg13: memref<!tpu.dma_semaphore, #tpu.memory_space<semaphore_mem>>) attributes {dimension_semantics = [#tpu.dimension_semantics<core_parallel>, #tpu.dimension_semantics<subcore_parallel>], iteration_bounds = array<i64: 2, 16>, scalar_prefetch = 0 : i64, scratch_operands = 7 : i64, tpu.core_type = #tpu.core_type<sc_vector_subcore>, window_params = [{transform_indices = #map}, {transform_indices = #map}, {transform_indices = #map}, {transform_indices = #map}, {transform_indices = #map}]} {
    %mul3A = arith.constant 640 : i32
    %mul3A_0 = arith.muli %arg1, %mul3A : i32
    "tpu.region"() ({
      %run_scoped3A = tpu.sem_alloc : memref<!tpu.dma_semaphore, #tpu.memory_space<semaphore_mem>>
      %dma_start3A = arith.constant 0 : i32
      %dma_start3A_17 = tpu.memref_slice %arg10[%mul3A_0, %dma_start3A] : memref<10240x128xf32, #tpu.memory_space<vmem_shared>> -> memref<640x128xf32, #tpu.memory_space<vmem_shared>>
      tpu.enqueue_dma source(%arg3 : memref<640x128xf32, #tpu.memory_space<hbm>>) target(%dma_start3A_17 : memref<640x128xf32, #tpu.memory_space<vmem_shared>>) target_semaphore(%run_scoped3A : memref<!tpu.dma_semaphore, #tpu.memory_space<semaphore_mem>>)
      %dma_wait3A = arith.constant 0 : i32
      %dma_wait3A_18 = tpu.memref_slice %arg10[%mul3A_0, %dma_wait3A] : memref<10240x128xf32, #tpu.memory_space<vmem_shared>> -> memref<640x128xf32, #tpu.memory_space<vmem_shared>>
      tpu.wait_dma2 semaphore(%run_scoped3A : memref<!tpu.dma_semaphore, #tpu.memory_space<semaphore_mem>>) src(%arg3 : memref<640x128xf32, #tpu.memory_space<hbm>>) dst(%dma_wait3A_18 : memref<640x128xf32, #tpu.memory_space<vmem_shared>>)
      tpu.yield
    }) : () -> ()
    %barrier3A = arith.constant 0 : index
    tpu.barrier barrier_id(%barrier3A)
    %eq3A = arith.constant 0 : i32
    %eq3A_1 = arith.cmpi eq, %arg0, %eq3A : i32
    %mul3A_2 = arith.constant 120 : i32
    %mul3A_3 = arith.muli %arg1, %mul3A_2 : i32
    %mul3A_4 = arith.constant 40 : i32
    %mul3A_5 = arith.muli %arg1, %mul3A_4 : i32
    %add3A = arith.constant 1920 : i32
    %add3A_6 = arith.addi %add3A, %mul3A_5 : i32
    %select_n3A = arith.select %eq3A_1, %mul3A_3, %add3A_6 : i32
    %eq3A_7 = arith.constant 0 : i32
    %eq3A_8 = arith.cmpi eq, %arg0, %eq3A_7 : i32
    %jit3A = arith.constant 120 : i32
    %jit3A_9 = arith.constant 40 : i32
    %select_n3A_10 = arith.select %eq3A_8, %jit3A, %jit3A_9 : i32
    %gt3A = arith.constant 0 : i32
    %gt3A_11 = arith.cmpi sgt, %select_n3A_10, %gt3A : i32
    %convert_element_type3A = arith.extui %gt3A_11 : i1 to i32
    %cond3A = arith.constant 0 : i32
    %cond3A_12 = arith.cmpi ne, %convert_element_type3A, %cond3A : i32
    scf.if %cond3A_12 {
      %jit3A_17 = arith.constant 8 : i32
      %div3A = arith.divsi %select_n3A_10, %jit3A_17 : i32
      %sign3A = arith.constant 0 : i32
      %sign3A_18 = arith.cmpi sgt, %select_n3A_10, %sign3A : i32
      %sign3A_19 = arith.extui %sign3A_18 : i1 to i32
      %sign3A_20 = arith.constant 0 : i32
      %sign3A_21 = arith.cmpi slt, %select_n3A_10, %sign3A_20 : i32
      %sign3A_22 = arith.extui %sign3A_21 : i1 to i32
      %sign3A_23 = arith.subi %sign3A_19, %sign3A_22 : i32
      %sign3A_24 = arith.constant 0 : i32
      %sign3A_25 = arith.cmpi sgt, %jit3A_17, %sign3A_24 : i32
      %sign3A_26 = arith.extui %sign3A_25 : i1 to i32
      %sign3A_27 = arith.constant 0 : i32
      %sign3A_28 = arith.cmpi slt, %jit3A_17, %sign3A_27 : i32
      %sign3A_29 = arith.extui %sign3A_28 : i1 to i32
      %sign3A_30 = arith.subi %sign3A_26, %sign3A_29 : i32
      %ne3A = arith.cmpi ne, %sign3A_23, %sign3A_30 : i32
      %rem3A = arith.remsi %select_n3A_10, %jit3A_17 : i32
      %ne3A_31 = arith.constant 0 : i32
      %ne3A_32 = arith.cmpi ne, %rem3A, %ne3A_31 : i32
      %and3A = arith.andi %ne3A, %ne3A_32 : i1
      %sub3A = arith.constant 1 : i32
      %sub3A_33 = arith.subi %div3A, %sub3A : i32
      %select_n3A_34 = arith.select %and3A, %sub3A_33, %div3A : i32
      %run_scoped3A = arith.constant 0 : i32
      "tpu.region"() ({
        %run_scoped3A_106 = tpu.sem_alloc : memref<!tpu.dma_semaphore, #tpu.memory_space<semaphore_mem>>
        %dma_start3A_107 = arith.constant 0 : i32
        %dma_start3A_108 = arith.constant 0 : i32
        %dma_start3A_109 = tpu.memref_slice %arg7[%run_scoped3A, %dma_start3A_107, %dma_start3A_108] : memref<2x8x128xi32, #tpu.memory_space<vmem>> -> memref<1x8x128xi32, #tpu.memory_space<vmem>>
        %dma_start3A_110 = tpu.memref_squeeze %dma_start3A_109 : memref<1x8x128xi32, #tpu.memory_space<vmem>> -> memref<8x128xi32, #tpu.memory_space<vmem>>
        %dma_start3A_111 = arith.constant 0 : i32
        %dma_start3A_112 = tpu.memref_slice %arg4[%select_n3A, %dma_start3A_111] : memref<2560x128xi32, #tpu.memory_space<hbm>> -> memref<8x128xi32, #tpu.memory_space<hbm>>
        %dma_start3A_113 = arith.constant 0 : i32
        %dma_start3A_114 = arith.constant 0 : i32
        %dma_start3A_115 = tpu.memref_slice %arg7[%run_scoped3A, %dma_start3A_113, %dma_start3A_114] : memref<2x8x128xi32, #tpu.memory_space<vmem>> -> memref<1x8x128xi32, #tpu.memory_space<vmem>>
        %dma_start3A_116 = tpu.memref_squeeze %dma_start3A_115 : memref<1x8x128xi32, #tpu.memory_space<vmem>> -> memref<8x128xi32, #tpu.memory_space<vmem>>
        %dma_start3A_117 = arith.constant 0 : i32
        %dma_start3A_118 = tpu.memref_slice %arg4[%select_n3A, %dma_start3A_117] : memref<2560x128xi32, #tpu.memory_space<hbm>> -> memref<8x128xi32, #tpu.memory_space<hbm>>
        tpu.enqueue_dma source(%dma_start3A_118 : memref<8x128xi32, #tpu.memory_space<hbm>>) target(%dma_start3A_116 : memref<8x128xi32, #tpu.memory_space<vmem>>) target_semaphore(%run_scoped3A_106 : memref<!tpu.dma_semaphore, #tpu.memory_space<semaphore_mem>>)
        %dma_wait3A = arith.constant 0 : i32
        %dma_wait3A_119 = arith.constant 0 : i32
        %dma_wait3A_120 = tpu.memref_slice %arg7[%run_scoped3A, %dma_wait3A, %dma_wait3A_119] : memref<2x8x128xi32, #tpu.memory_space<vmem>> -> memref<1x8x128xi32, #tpu.memory_space<vmem>>
        %dma_wait3A_121 = tpu.memref_squeeze %dma_wait3A_120 : memref<1x8x128xi32, #tpu.memory_space<vmem>> -> memref<8x128xi32, #tpu.memory_space<vmem>>
        %dma_wait3A_122 = arith.constant 0 : i32
        %dma_wait3A_123 = tpu.memref_slice %arg4[%select_n3A, %dma_wait3A_122] : memref<2560x128xi32, #tpu.memory_space<hbm>> -> memref<8x128xi32, #tpu.memory_space<hbm>>
        %dma_wait3A_124 = arith.constant 0 : i32
        %dma_wait3A_125 = arith.constant 0 : i32
        %dma_wait3A_126 = tpu.memref_slice %arg7[%run_scoped3A, %dma_wait3A_124, %dma_wait3A_125] : memref<2x8x128xi32, #tpu.memory_space<vmem>> -> memref<1x8x128xi32, #tpu.memory_space<vmem>>
        %dma_wait3A_127 = tpu.memref_squeeze %dma_wait3A_126 : memref<1x8x128xi32, #tpu.memory_space<vmem>> -> memref<8x128xi32, #tpu.memory_space<vmem>>
        %dma_wait3A_128 = arith.constant 0 : i32
        %dma_wait3A_129 = tpu.memref_slice %arg4[%select_n3A, %dma_wait3A_128] : memref<2560x128xi32, #tpu.memory_space<hbm>> -> memref<8x128xi32, #tpu.memory_space<hbm>>
        tpu.wait_dma2 semaphore(%run_scoped3A_106 : memref<!tpu.dma_semaphore, #tpu.memory_space<semaphore_mem>>) src(%dma_wait3A_129 : memref<8x128xi32, #tpu.memory_space<hbm>>) dst(%dma_wait3A_127 : memref<8x128xi32, #tpu.memory_space<vmem>>)
        tpu.yield
      }) : () -> ()
      %run_scoped3A_35 = arith.constant 0 : i32
      "tpu.region"() ({
        %run_scoped3A_106 = tpu.sem_alloc : memref<!tpu.dma_semaphore, #tpu.memory_space<semaphore_mem>>
        %dma_start3A_107 = arith.constant 0 : i32
        %dma_start3A_108 = arith.constant 0 : i32
        %dma_start3A_109 = tpu.memref_slice %arg8[%run_scoped3A_35, %dma_start3A_107, %dma_start3A_108] : memref<2x8x128xi32, #tpu.memory_space<vmem>> -> memref<1x8x128xi32, #tpu.memory_space<vmem>>
        %dma_start3A_110 = tpu.memref_squeeze %dma_start3A_109 : memref<1x8x128xi32, #tpu.memory_space<vmem>> -> memref<8x128xi32, #tpu.memory_space<vmem>>
        %dma_start3A_111 = arith.constant 0 : i32
        %dma_start3A_112 = tpu.memref_slice %arg5[%select_n3A, %dma_start3A_111] : memref<2560x128xi32, #tpu.memory_space<hbm>> -> memref<8x128xi32, #tpu.memory_space<hbm>>
        %dma_start3A_113 = arith.constant 0 : i32
        %dma_start3A_114 = arith.constant 0 : i32
        %dma_start3A_115 = tpu.memref_slice %arg8[%run_scoped3A_35, %dma_start3A_113, %dma_start3A_114] : memref<2x8x128xi32, #tpu.memory_space<vmem>> -> memref<1x8x128xi32, #tpu.memory_space<vmem>>
        %dma_start3A_116 = tpu.memref_squeeze %dma_start3A_115 : memref<1x8x128xi32, #tpu.memory_space<vmem>> -> memref<8x128xi32, #tpu.memory_space<vmem>>
        %dma_start3A_117 = arith.constant 0 : i32
        %dma_start3A_118 = tpu.memref_slice %arg5[%select_n3A, %dma_start3A_117] : memref<2560x128xi32, #tpu.memory_space<hbm>> -> memref<8x128xi32, #tpu.memory_space<hbm>>
        tpu.enqueue_dma source(%dma_start3A_118 : memref<8x128xi32, #tpu.memory_space<hbm>>) target(%dma_start3A_116 : memref<8x128xi32, #tpu.memory_space<vmem>>) target_semaphore(%run_scoped3A_106 : memref<!tpu.dma_semaphore, #tpu.memory_space<semaphore_mem>>)
        %dma_wait3A = arith.constant 0 : i32
        %dma_wait3A_119 = arith.constant 0 : i32
        %dma_wait3A_120 = tpu.memref_slice %arg8[%run_scoped3A_35, %dma_wait3A, %dma_wait3A_119] : memref<2x8x128xi32, #tpu.memory_space<vmem>> -> memref<1x8x128xi32, #tpu.memory_space<vmem>>
        %dma_wait3A_121 = tpu.memref_squeeze %dma_wait3A_120 : memref<1x8x128xi32, #tpu.memory_space<vmem>> -> memref<8x128xi32, #tpu.memory_space<vmem>>
        %dma_wait3A_122 = arith.constant 0 : i32
        %dma_wait3A_123 = tpu.memref_slice %arg5[%select_n3A, %dma_wait3A_122] : memref<2560x128xi32, #tpu.memory_space<hbm>> -> memref<8x128xi32, #tpu.memory_space<hbm>>
        %dma_wait3A_124 = arith.constant 0 : i32
        %dma_wait3A_125 = arith.constant 0 : i32
        %dma_wait3A_126 = tpu.memref_slice %arg8[%run_scoped3A_35, %dma_wait3A_124, %dma_wait3A_125] : memref<2x8x128xi32, #tpu.memory_space<vmem>> -> memref<1x8x128xi32, #tpu.memory_space<vmem>>
        %dma_wait3A_127 = tpu.memref_squeeze %dma_wait3A_126 : memref<1x8x128xi32, #tpu.memory_space<vmem>> -> memref<8x128xi32, #tpu.memory_space<vmem>>
        %dma_wait3A_128 = arith.constant 0 : i32
        %dma_wait3A_129 = tpu.memref_slice %arg5[%select_n3A, %dma_wait3A_128] : memref<2560x128xi32, #tpu.memory_space<hbm>> -> memref<8x128xi32, #tpu.memory_space<hbm>>
        tpu.wait_dma2 semaphore(%run_scoped3A_106 : memref<!tpu.dma_semaphore, #tpu.memory_space<semaphore_mem>>) src(%dma_wait3A_129 : memref<8x128xi32, #tpu.memory_space<hbm>>) dst(%dma_wait3A_127 : memref<8x128xi32, #tpu.memory_space<vmem>>)
        tpu.yield
      }) : () -> ()
      %add3A_36 = arith.constant 8 : i32
      %add3A_37 = arith.addi %select_n3A, %add3A_36 : i32
      %dma_start3A = arith.constant 1 : i32
      %dma_start3A_38 = arith.constant 0 : i32
      %dma_start3A_39 = arith.constant 0 : i32
      %dma_start3A_40 = tpu.memref_slice %arg7[%dma_start3A, %dma_start3A_38, %dma_start3A_39] : memref<2x8x128xi32, #tpu.memory_space<vmem>> -> memref<1x8x128xi32, #tpu.memory_space<vmem>>
      %dma_start3A_41 = tpu.memref_squeeze %dma_start3A_40 : memref<1x8x128xi32, #tpu.memory_space<vmem>> -> memref<8x128xi32, #tpu.memory_space<vmem>>
      %dma_start3A_42 = arith.constant 0 : i32
      %dma_start3A_43 = tpu.memref_slice %arg4[%add3A_37, %dma_start3A_42] : memref<2560x128xi32, #tpu.memory_space<hbm>> -> memref<8x128xi32, #tpu.memory_space<hbm>>
      %dma_start3A_44 = arith.constant 0 : i32
      %dma_start3A_45 = arith.constant 0 : i32
      %dma_start3A_46 = tpu.memref_slice %arg7[%dma_start3A, %dma_start3A_44, %dma_start3A_45] : memref<2x8x128xi32, #tpu.memory_space<vmem>> -> memref<1x8x128xi32, #tpu.memory_space<vmem>>
      %dma_start3A_47 = tpu.memref_squeeze %dma_start3A_46 : memref<1x8x128xi32, #tpu.memory_space<vmem>> -> memref<8x128xi32, #tpu.memory_space<vmem>>
      %dma_start3A_48 = arith.constant 0 : i32
      %dma_start3A_49 = tpu.memref_slice %arg4[%add3A_37, %dma_start3A_48] : memref<2560x128xi32, #tpu.memory_space<hbm>> -> memref<8x128xi32, #tpu.memory_space<hbm>>
      tpu.enqueue_dma source(%dma_start3A_49 : memref<8x128xi32, #tpu.memory_space<hbm>>) target(%dma_start3A_47 : memref<8x128xi32, #tpu.memory_space<vmem>>) target_semaphore(%arg12 : memref<!tpu.dma_semaphore, #tpu.memory_space<semaphore_mem>>)
      %add3A_50 = arith.constant 8 : i32
      %add3A_51 = arith.addi %select_n3A, %add3A_50 : i32
      %dma_start3A_52 = arith.constant 1 : i32
      %dma_start3A_53 = arith.constant 0 : i32
      %dma_start3A_54 = arith.constant 0 : i32
      %dma_start3A_55 = tpu.memref_slice %arg8[%dma_start3A_52, %dma_start3A_53, %dma_start3A_54] : memref<2x8x128xi32, #tpu.memory_space<vmem>> -> memref<1x8x128xi32, #tpu.memory_space<vmem>>
      %dma_start3A_56 = tpu.memref_squeeze %dma_start3A_55 : memref<1x8x128xi32, #tpu.memory_space<vmem>> -> memref<8x128xi32, #tpu.memory_space<vmem>>
      %dma_start3A_57 = arith.constant 0 : i32
      %dma_start3A_58 = tpu.memref_slice %arg5[%add3A_51, %dma_start3A_57] : memref<2560x128xi32, #tpu.memory_space<hbm>> -> memref<8x128xi32, #tpu.memory_space<hbm>>
      %dma_start3A_59 = arith.constant 0 : i32
      %dma_start3A_60 = arith.constant 0 : i32
      %dma_start3A_61 = tpu.memref_slice %arg8[%dma_start3A_52, %dma_start3A_59, %dma_start3A_60] : memref<2x8x128xi32, #tpu.memory_space<vmem>> -> memref<1x8x128xi32, #tpu.memory_space<vmem>>
      %dma_start3A_62 = tpu.memref_squeeze %dma_start3A_61 : memref<1x8x128xi32, #tpu.memory_space<vmem>> -> memref<8x128xi32, #tpu.memory_space<vmem>>
      %dma_start3A_63 = arith.constant 0 : i32
      %dma_start3A_64 = tpu.memref_slice %arg5[%add3A_51, %dma_start3A_63] : memref<2560x128xi32, #tpu.memory_space<hbm>> -> memref<8x128xi32, #tpu.memory_space<hbm>>
      tpu.enqueue_dma source(%dma_start3A_64 : memref<8x128xi32, #tpu.memory_space<hbm>>) target(%dma_start3A_62 : memref<8x128xi32, #tpu.memory_space<vmem>>) target_semaphore(%arg13 : memref<!tpu.dma_semaphore, #tpu.memory_space<semaphore_mem>>)
      %dma_start3A_65 = arith.constant 0 : i32
      %dma_start3A_66 = arith.constant 0 : i32
      %dma_start3A_67 = arith.constant 0 : i32
      %dma_start3A_68 = arith.constant 0 : i32
      %dma_start3A_69 = arith.constant 0 : i32
      %dma_start3A_70 = arith.constant 0 : i32
      %dma_start3A_71 = tpu.memref_slice %arg9[%dma_start3A_67, %dma_start3A_69, %dma_start3A_70] : memref<2x128x128xf32, #tpu.memory_space<vmem>> -> memref<1x128x128xf32, #tpu.memory_space<vmem>>
      %dma_start3A_72 = tpu.memref_squeeze %dma_start3A_71 : memref<1x128x128xf32, #tpu.memory_space<vmem>> -> memref<128x128xf32, #tpu.memory_space<vmem>>
      %dma_start3A_73 = arith.constant 0 : i32
      %dma_start3A_74 = tpu.memref_slice %arg7[%dma_start3A_65, %dma_start3A_66, %dma_start3A_73] : memref<2x8x128xi32, #tpu.memory_space<vmem>> -> memref<1x1x128xi32, #tpu.memory_space<vmem>>
      %dma_start3A_75 = tpu.memref_squeeze %dma_start3A_74 : memref<1x1x128xi32, #tpu.memory_space<vmem>> -> memref<128xi32, #tpu.memory_space<vmem>>
      %dma_start3A_76 = arith.constant 0 : i32
      %dma_start3A_77 = arith.constant 0 : i32
      %dma_start3A_78 = tpu.memref_slice %arg2[%dma_start3A_76, %dma_start3A_77] : memref<10000x128xf32, #tpu.memory_space<hbm>> -> memref<10000x128xf32, #tpu.memory_space<hbm>>
      %dma_start3A_79 = tpu.memref_slice %arg11[%dma_start3A_68] : memref<2x!tpu.dma_semaphore, #tpu.memory_space<semaphore_mem>> -> memref<1x!tpu.dma_semaphore, #tpu.memory_space<semaphore_mem>>
      %dma_start3A_80 = tpu.memref_squeeze %dma_start3A_79 : memref<1x!tpu.dma_semaphore, #tpu.memory_space<semaphore_mem>> -> memref<!tpu.dma_semaphore, #tpu.memory_space<semaphore_mem>>
      tpu.enqueue_indirect_dma source(%dma_start3A_78 : memref<10000x128xf32, #tpu.memory_space<hbm>>) target(%dma_start3A_72 : memref<128x128xf32, #tpu.memory_space<vmem>>) offsets(%dma_start3A_75 : memref<128xi32, #tpu.memory_space<vmem>>) semaphore(%dma_start3A_80 : memref<!tpu.dma_semaphore, #tpu.memory_space<semaphore_mem>>)
      %dma_start3A_81 = arith.constant 0 : i32
      %dma_start3A_82 = arith.constant 1 : i32
      %dma_start3A_83 = arith.constant 1 : i32
      %dma_start3A_84 = arith.constant 1 : i32
      %dma_start3A_85 = arith.constant 0 : i32
      %dma_start3A_86 = arith.constant 0 : i32
      %dma_start3A_87 = tpu.memref_slice %arg9[%dma_start3A_83, %dma_start3A_85, %dma_start3A_86] : memref<2x128x128xf32, #tpu.memory_space<vmem>> -> memref<1x128x128xf32, #tpu.memory_space<vmem>>
      %dma_start3A_88 = tpu.memref_squeeze %dma_start3A_87 : memref<1x128x128xf32, #tpu.memory_space<vmem>> -> memref<128x128xf32, #tpu.memory_space<vmem>>
      %dma_start3A_89 = arith.constant 0 : i32
      %dma_start3A_90 = tpu.memref_slice %arg7[%dma_start3A_81, %dma_start3A_82, %dma_start3A_89] : memref<2x8x128xi32, #tpu.memory_space<vmem>> -> memref<1x1x128xi32, #tpu.memory_space<vmem>>
      %dma_start3A_91 = tpu.memref_squeeze %dma_start3A_90 : memref<1x1x128xi32, #tpu.memory_space<vmem>> -> memref<128xi32, #tpu.memory_space<vmem>>
      %dma_start3A_92 = arith.constant 0 : i32
      %dma_start3A_93 = arith.constant 0 : i32
      %dma_start3A_94 = tpu.memref_slice %arg2[%dma_start3A_92, %dma_start3A_93] : memref<10000x128xf32, #tpu.memory_space<hbm>> -> memref<10000x128xf32, #tpu.memory_space<hbm>>
      %dma_start3A_95 = tpu.memref_slice %arg11[%dma_start3A_84] : memref<2x!tpu.dma_semaphore, #tpu.memory_space<semaphore_mem>> -> memref<1x!tpu.dma_semaphore, #tpu.memory_space<semaphore_mem>>
      %dma_start3A_96 = tpu.memref_squeeze %dma_start3A_95 : memref<1x!tpu.dma_semaphore, #tpu.memory_space<semaphore_mem>> -> memref<!tpu.dma_semaphore, #tpu.memory_space<semaphore_mem>>
      tpu.enqueue_indirect_dma source(%dma_start3A_94 : memref<10000x128xf32, #tpu.memory_space<hbm>>) target(%dma_start3A_88 : memref<128x128xf32, #tpu.memory_space<vmem>>) offsets(%dma_start3A_91 : memref<128xi32, #tpu.memory_space<vmem>>) semaphore(%dma_start3A_96 : memref<!tpu.dma_semaphore, #tpu.memory_space<semaphore_mem>>)
      %while3A = arith.constant 0 : i32
      %while3A_97 = arith.constant 0 : i32
      %while3A_98 = arith.subi %select_n3A_10, %while3A_97 : i32
      %while3A_99 = arith.addi %while3A_97, %while3A_98 : i32
      %while3A_100 = arith.constant 1 : i32
      %while3A_101 = arith.divsi %while3A_98, %while3A_100 : i32
      %while3A_102 = arith.muli %while3A_101, %while3A_100 : i32
      %while3A_103 = arith.addi %while3A_97, %while3A_102 : i32
      %while3A_104 = arith.constant 1 : i32
      scf.for %while3A_106 = %while3A_97 to %while3A_103 step %while3A_104  : i32 {
        %jit3A_107 = arith.constant 2 : i32
        %eq3A_108 = arith.constant 0 : i32
        %eq3A_109 = arith.cmpi eq, %jit3A_107, %eq3A_108 : i32
        %jit3A_110 = arith.constant 1 : i32
        %select_n3A_111 = arith.select %eq3A_109, %jit3A_110, %jit3A_107 : i32
        %rem3A_112 = arith.remsi %while3A_106, %select_n3A_111 : i32
        %ne3A_113 = arith.constant 0 : i32
        %ne3A_114 = arith.cmpi ne, %rem3A_112, %ne3A_113 : i32
        %lt3A = arith.constant 0 : i32
        %lt3A_115 = arith.cmpi slt, %rem3A_112, %lt3A : i32
        %lt3A_116 = arith.constant 0 : i32
        %lt3A_117 = arith.cmpi slt, %select_n3A_111, %lt3A_116 : i32
        %ne3A_118 = arith.xori %lt3A_115, %lt3A_117 : i1
        %and3A_119 = arith.andi %ne3A_118, %ne3A_114 : i1
        %add3A_120 = arith.addi %rem3A_112, %select_n3A_111 : i32
        %select_n3A_121 = arith.select %and3A_119, %add3A_120, %rem3A_112 : i32
        %jit3A_122 = arith.constant 8 : i32
        %div3A_123 = arith.divsi %while3A_106, %jit3A_122 : i32
        %sign3A_124 = arith.constant 0 : i32
        %sign3A_125 = arith.cmpi sgt, %while3A_106, %sign3A_124 : i32
        %sign3A_126 = arith.extui %sign3A_125 : i1 to i32
        %sign3A_127 = arith.constant 0 : i32
        %sign3A_128 = arith.cmpi slt, %while3A_106, %sign3A_127 : i32
        %sign3A_129 = arith.extui %sign3A_128 : i1 to i32
        %sign3A_130 = arith.subi %sign3A_126, %sign3A_129 : i32
        %sign3A_131 = arith.constant 0 : i32
        %sign3A_132 = arith.cmpi sgt, %jit3A_122, %sign3A_131 : i32
        %sign3A_133 = arith.extui %sign3A_132 : i1 to i32
        %sign3A_134 = arith.constant 0 : i32
        %sign3A_135 = arith.cmpi slt, %jit3A_122, %sign3A_134 : i32
        %sign3A_136 = arith.extui %sign3A_135 : i1 to i32
        %sign3A_137 = arith.subi %sign3A_133, %sign3A_136 : i32
        %ne3A_138 = arith.cmpi ne, %sign3A_130, %sign3A_137 : i32
        %rem3A_139 = arith.remsi %while3A_106, %jit3A_122 : i32
        %ne3A_140 = arith.constant 0 : i32
        %ne3A_141 = arith.cmpi ne, %rem3A_139, %ne3A_140 : i32
        %and3A_142 = arith.andi %ne3A_138, %ne3A_141 : i1
        %sub3A_143 = arith.constant 1 : i32
        %sub3A_144 = arith.subi %div3A_123, %sub3A_143 : i32
        %select_n3A_145 = arith.select %and3A_142, %sub3A_144, %div3A_123 : i32
        %dma_wait3A = arith.constant 0 : i32
        %dma_wait3A_146 = arith.constant 0 : i32
        %dma_wait3A_147 = arith.constant 0 : i32
        %dma_wait3A_148 = arith.constant 0 : i32
        %dma_wait3A_149 = tpu.memref_slice %arg9[%select_n3A_121, %dma_wait3A_147, %dma_wait3A_148] : memref<2x128x128xf32, #tpu.memory_space<vmem>> -> memref<1x128x128xf32, #tpu.memory_space<vmem>>
        %dma_wait3A_150 = tpu.memref_squeeze %dma_wait3A_149 : memref<1x128x128xf32, #tpu.memory_space<vmem>> -> memref<128x128xf32, #tpu.memory_space<vmem>>
        %dma_wait3A_151 = arith.constant 0 : i32
        %dma_wait3A_152 = tpu.memref_slice %arg7[%dma_wait3A, %dma_wait3A_146, %dma_wait3A_151] : memref<2x8x128xi32, #tpu.memory_space<vmem>> -> memref<1x1x128xi32, #tpu.memory_space<vmem>>
        %dma_wait3A_153 = tpu.memref_squeeze %dma_wait3A_152 : memref<1x1x128xi32, #tpu.memory_space<vmem>> -> memref<128xi32, #tpu.memory_space<vmem>>
        %dma_wait3A_154 = arith.constant 0 : i32
        %dma_wait3A_155 = arith.constant 0 : i32
        %dma_wait3A_156 = tpu.memref_slice %arg2[%dma_wait3A_154, %dma_wait3A_155] : memref<10000x128xf32, #tpu.memory_space<hbm>> -> memref<10000x128xf32, #tpu.memory_space<hbm>>
        %dma_wait3A_157 = tpu.memref_slice %arg11[%select_n3A_121] : memref<2x!tpu.dma_semaphore, #tpu.memory_space<semaphore_mem>> -> memref<1x!tpu.dma_semaphore, #tpu.memory_space<semaphore_mem>>
        %dma_wait3A_158 = tpu.memref_squeeze %dma_wait3A_157 : memref<1x!tpu.dma_semaphore, #tpu.memory_space<semaphore_mem>> -> memref<!tpu.dma_semaphore, #tpu.memory_space<semaphore_mem>>
        tpu.wait_indirect_dma semaphore(%dma_wait3A_158 : memref<!tpu.dma_semaphore, #tpu.memory_space<semaphore_mem>>) src(%dma_wait3A_156 : memref<10000x128xf32, #tpu.memory_space<hbm>>) dst(%dma_wait3A_150 : memref<128x128xf32, #tpu.memory_space<vmem>>)
        %jit3A_159 = arith.constant 2 : i32
        %eq3A_160 = arith.constant 0 : i32
        %eq3A_161 = arith.cmpi eq, %jit3A_159, %eq3A_160 : i32
        %jit3A_162 = arith.constant 1 : i32
        %select_n3A_163 = arith.select %eq3A_161, %jit3A_162, %jit3A_159 : i32
        %rem3A_164 = arith.remsi %select_n3A_145, %select_n3A_163 : i32
        %ne3A_165 = arith.constant 0 : i32
        %ne3A_166 = arith.cmpi ne, %rem3A_164, %ne3A_165 : i32
        %lt3A_167 = arith.constant 0 : i32
        %lt3A_168 = arith.cmpi slt, %rem3A_164, %lt3A_167 : i32
        %lt3A_169 = arith.constant 0 : i32
        %lt3A_170 = arith.cmpi slt, %select_n3A_163, %lt3A_169 : i32
        %ne3A_171 = arith.xori %lt3A_168, %lt3A_170 : i1
        %and3A_172 = arith.andi %ne3A_171, %ne3A_166 : i1
        %add3A_173 = arith.addi %rem3A_164, %select_n3A_163 : i32
        %select_n3A_174 = arith.select %and3A_172, %add3A_173, %rem3A_164 : i32
        %jit3A_175 = arith.constant 8 : i32
        %eq3A_176 = arith.constant 0 : i32
        %eq3A_177 = arith.cmpi eq, %jit3A_175, %eq3A_176 : i32
        %jit3A_178 = arith.constant 1 : i32
        %select_n3A_179 = arith.select %eq3A_177, %jit3A_178, %jit3A_175 : i32
        %rem3A_180 = arith.remsi %while3A_106, %select_n3A_179 : i32
        %ne3A_181 = arith.constant 0 : i32
        %ne3A_182 = arith.cmpi ne, %rem3A_180, %ne3A_181 : i32
        %lt3A_183 = arith.constant 0 : i32
        %lt3A_184 = arith.cmpi slt, %rem3A_180, %lt3A_183 : i32
        %lt3A_185 = arith.constant 0 : i32
        %lt3A_186 = arith.cmpi slt, %select_n3A_179, %lt3A_185 : i32
        %ne3A_187 = arith.xori %lt3A_184, %lt3A_186 : i1
        %and3A_188 = arith.andi %ne3A_187, %ne3A_182 : i1
        %add3A_189 = arith.addi %rem3A_180, %select_n3A_179 : i32
        %select_n3A_190 = arith.select %and3A_188, %add3A_189, %rem3A_180 : i32
        "tpu.region"() ({
          %run_scoped3A_247 = tpu.sem_alloc : memref<!tpu.dma_semaphore, #tpu.memory_space<semaphore_mem>>
          %dma_start3A_248 = arith.constant 0 : i32
          %dma_start3A_249 = arith.constant 0 : i32
          %dma_start3A_250 = tpu.memref_slice %arg9[%select_n3A_121, %dma_start3A_248, %dma_start3A_249] : memref<2x128x128xf32, #tpu.memory_space<vmem>> -> memref<1x128x128xf32, #tpu.memory_space<vmem>>
          %dma_start3A_251 = tpu.memref_squeeze %dma_start3A_250 : memref<1x128x128xf32, #tpu.memory_space<vmem>> -> memref<128x128xf32, #tpu.memory_space<vmem>>
          %dma_start3A_252 = arith.constant 0 : i32
          %dma_start3A_253 = tpu.memref_slice %arg8[%select_n3A_174, %select_n3A_190, %dma_start3A_252] : memref<2x8x128xi32, #tpu.memory_space<vmem>> -> memref<1x1x128xi32, #tpu.memory_space<vmem>>
          %dma_start3A_254 = tpu.memref_squeeze %dma_start3A_253 : memref<1x1x128xi32, #tpu.memory_space<vmem>> -> memref<128xi32, #tpu.memory_space<vmem>>
          %dma_start3A_255 = arith.constant 0 : i32
          %dma_start3A_256 = arith.constant 0 : i32
          %dma_start3A_257 = tpu.memref_slice %arg10[%dma_start3A_255, %dma_start3A_256] : memref<10240x128xf32, #tpu.memory_space<vmem_shared>> -> memref<10240x128xf32, #tpu.memory_space<vmem_shared>>
          tpu.enqueue_indirect_dma source(%dma_start3A_251 : memref<128x128xf32, #tpu.memory_space<vmem>>) target(%dma_start3A_257 : memref<10240x128xf32, #tpu.memory_space<vmem_shared>>) offsets(%dma_start3A_254 : memref<128xi32, #tpu.memory_space<vmem>>) semaphore(%run_scoped3A_247 : memref<!tpu.dma_semaphore, #tpu.memory_space<semaphore_mem>>) {add = true}
          %dma_wait3A_258 = arith.constant 0 : i32
          %dma_wait3A_259 = arith.constant 0 : i32
          %dma_wait3A_260 = tpu.memref_slice %arg9[%select_n3A_121, %dma_wait3A_258, %dma_wait3A_259] : memref<2x128x128xf32, #tpu.memory_space<vmem>> -> memref<1x128x128xf32, #tpu.memory_space<vmem>>
          %dma_wait3A_261 = tpu.memref_squeeze %dma_wait3A_260 : memref<1x128x128xf32, #tpu.memory_space<vmem>> -> memref<128x128xf32, #tpu.memory_space<vmem>>
          %dma_wait3A_262 = arith.constant 0 : i32
          %dma_wait3A_263 = tpu.memref_slice %arg8[%select_n3A_174, %select_n3A_190, %dma_wait3A_262] : memref<2x8x128xi32, #tpu.memory_space<vmem>> -> memref<1x1x128xi32, #tpu.memory_space<vmem>>
          %dma_wait3A_264 = tpu.memref_squeeze %dma_wait3A_263 : memref<1x1x128xi32, #tpu.memory_space<vmem>> -> memref<128xi32, #tpu.memory_space<vmem>>
          %dma_wait3A_265 = arith.constant 0 : i32
          %dma_wait3A_266 = arith.constant 0 : i32
          %dma_wait3A_267 = tpu.memref_slice %arg10[%dma_wait3A_265, %dma_wait3A_266] : memref<10240x128xf32, #tpu.memory_space<vmem_shared>> -> memref<10240x128xf32, #tpu.memory_space<vmem_shared>>
          tpu.wait_indirect_dma semaphore(%run_scoped3A_247 : memref<!tpu.dma_semaphore, #tpu.memory_space<semaphore_mem>>) src(%dma_wait3A_261 : memref<128x128xf32, #tpu.memory_space<vmem>>) dst(%dma_wait3A_267 : memref<10240x128xf32, #tpu.memory_space<vmem_shared>>)
          tpu.yield
        }) : () -> ()
        %jit3A_191 = arith.constant 8 : i32
        %eq3A_192 = arith.constant 0 : i32
        %eq3A_193 = arith.cmpi eq, %jit3A_191, %eq3A_192 : i32
        %jit3A_194 = arith.constant 1 : i32
        %select_n3A_195 = arith.select %eq3A_193, %jit3A_194, %jit3A_191 : i32
        %rem3A_196 = arith.remsi %while3A_106, %select_n3A_195 : i32
        %ne3A_197 = arith.constant 0 : i32
        %ne3A_198 = arith.cmpi ne, %rem3A_196, %ne3A_197 : i32
        %lt3A_199 = arith.constant 0 : i32
        %lt3A_200 = arith.cmpi slt, %rem3A_196, %lt3A_199 : i32
        %lt3A_201 = arith.constant 0 : i32
        %lt3A_202 = arith.cmpi slt, %select_n3A_195, %lt3A_201 : i32
        %ne3A_203 = arith.xori %lt3A_200, %lt3A_202 : i1
        %and3A_204 = arith.andi %ne3A_203, %ne3A_198 : i1
        %add3A_205 = arith.addi %rem3A_196, %select_n3A_195 : i32
        %select_n3A_206 = arith.select %and3A_204, %add3A_205, %rem3A_196 : i32
        %eq3A_207 = arith.constant 6 : i32
        %eq3A_208 = arith.cmpi eq, %select_n3A_206, %eq3A_207 : i32
        %add3A_209 = arith.constant 2 : i32
        %add3A_210 = arith.addi %while3A_106, %add3A_209 : i32
        %lt3A_211 = arith.cmpi slt, %add3A_210, %select_n3A_10 : i32
        %and3A_212 = arith.andi %eq3A_208, %lt3A_211 : i1
        %convert_element_type3A_213 = arith.extui %and3A_212 : i1 to i32
        %cond3A_214 = arith.constant 0 : i32
        %cond3A_215 = arith.cmpi ne, %convert_element_type3A_213, %cond3A_214 : i32
        scf.if %cond3A_215 {
          %add3A_247 = arith.constant 1 : i32
          %add3A_248 = arith.addi %select_n3A_145, %add3A_247 : i32
          %jit3A_249 = arith.constant 2 : i32
          %eq3A_250 = arith.constant 0 : i32
          %eq3A_251 = arith.cmpi eq, %jit3A_249, %eq3A_250 : i32
          %jit3A_252 = arith.constant 1 : i32
          %select_n3A_253 = arith.select %eq3A_251, %jit3A_252, %jit3A_249 : i32
          %rem3A_254 = arith.remsi %add3A_248, %select_n3A_253 : i32
          %ne3A_255 = arith.constant 0 : i32
          %ne3A_256 = arith.cmpi ne, %rem3A_254, %ne3A_255 : i32
          %lt3A_257 = arith.constant 0 : i32
          %lt3A_258 = arith.cmpi slt, %rem3A_254, %lt3A_257 : i32
          %lt3A_259 = arith.constant 0 : i32
          %lt3A_260 = arith.cmpi slt, %select_n3A_253, %lt3A_259 : i32
          %ne3A_261 = arith.xori %lt3A_258, %lt3A_260 : i1
          %and3A_262 = arith.andi %ne3A_261, %ne3A_256 : i1
          %add3A_263 = arith.addi %rem3A_254, %select_n3A_253 : i32
          %select_n3A_264 = arith.select %and3A_262, %add3A_263, %rem3A_254 : i32
          %dma_wait3A_265 = arith.constant 0 : i32
          %dma_wait3A_266 = arith.constant 0 : i32
          %dma_wait3A_267 = tpu.memref_slice %arg7[%select_n3A_264, %dma_wait3A_265, %dma_wait3A_266] : memref<2x8x128xi32, #tpu.memory_space<vmem>> -> memref<1x8x128xi32, #tpu.memory_space<vmem>>
          %dma_wait3A_268 = tpu.memref_squeeze %dma_wait3A_267 : memref<1x8x128xi32, #tpu.memory_space<vmem>> -> memref<8x128xi32, #tpu.memory_space<vmem>>
          %dma_wait3A_269 = arith.constant 0 : i32
          %dma_wait3A_270 = tpu.memref_slice %arg4[%select_n3A, %dma_wait3A_269] : memref<2560x128xi32, #tpu.memory_space<hbm>> -> memref<8x128xi32, #tpu.memory_space<hbm>>
          %dma_wait3A_271 = arith.constant 0 : i32
          %dma_wait3A_272 = arith.constant 0 : i32
          %dma_wait3A_273 = tpu.memref_slice %arg7[%select_n3A_264, %dma_wait3A_271, %dma_wait3A_272] : memref<2x8x128xi32, #tpu.memory_space<vmem>> -> memref<1x8x128xi32, #tpu.memory_space<vmem>>
          %dma_wait3A_274 = tpu.memref_squeeze %dma_wait3A_273 : memref<1x8x128xi32, #tpu.memory_space<vmem>> -> memref<8x128xi32, #tpu.memory_space<vmem>>
          %dma_wait3A_275 = arith.constant 0 : i32
          %dma_wait3A_276 = tpu.memref_slice %arg4[%select_n3A, %dma_wait3A_275] : memref<2560x128xi32, #tpu.memory_space<hbm>> -> memref<8x128xi32, #tpu.memory_space<hbm>>
          tpu.wait_dma2 semaphore(%arg12 : memref<!tpu.dma_semaphore, #tpu.memory_space<semaphore_mem>>) src(%dma_wait3A_276 : memref<8x128xi32, #tpu.memory_space<hbm>>) dst(%dma_wait3A_274 : memref<8x128xi32, #tpu.memory_space<vmem>>)
          %add3A_277 = arith.constant 1 : i32
          %add3A_278 = arith.addi %select_n3A_145, %add3A_277 : i32
          %jit3A_279 = arith.constant 2 : i32
          %eq3A_280 = arith.constant 0 : i32
          %eq3A_281 = arith.cmpi eq, %jit3A_279, %eq3A_280 : i32
          %jit3A_282 = arith.constant 1 : i32
          %select_n3A_283 = arith.select %eq3A_281, %jit3A_282, %jit3A_279 : i32
          %rem3A_284 = arith.remsi %add3A_278, %select_n3A_283 : i32
          %ne3A_285 = arith.constant 0 : i32
          %ne3A_286 = arith.cmpi ne, %rem3A_284, %ne3A_285 : i32
          %lt3A_287 = arith.constant 0 : i32
          %lt3A_288 = arith.cmpi slt, %rem3A_284, %lt3A_287 : i32
          %lt3A_289 = arith.constant 0 : i32
          %lt3A_290 = arith.cmpi slt, %select_n3A_283, %lt3A_289 : i32
          %ne3A_291 = arith.xori %lt3A_288, %lt3A_290 : i1
          %and3A_292 = arith.andi %ne3A_291, %ne3A_286 : i1
          %add3A_293 = arith.addi %rem3A_284, %select_n3A_283 : i32
          %select_n3A_294 = arith.select %and3A_292, %add3A_293, %rem3A_284 : i32
          %dma_wait3A_295 = arith.constant 0 : i32
          %dma_wait3A_296 = arith.constant 0 : i32
          %dma_wait3A_297 = tpu.memref_slice %arg8[%select_n3A_294, %dma_wait3A_295, %dma_wait3A_296] : memref<2x8x128xi32, #tpu.memory_space<vmem>> -> memref<1x8x128xi32, #tpu.memory_space<vmem>>
          %dma_wait3A_298 = tpu.memref_squeeze %dma_wait3A_297 : memref<1x8x128xi32, #tpu.memory_space<vmem>> -> memref<8x128xi32, #tpu.memory_space<vmem>>
          %dma_wait3A_299 = arith.constant 0 : i32
          %dma_wait3A_300 = tpu.memref_slice %arg5[%select_n3A, %dma_wait3A_299] : memref<2560x128xi32, #tpu.memory_space<hbm>> -> memref<8x128xi32, #tpu.memory_space<hbm>>
          %dma_wait3A_301 = arith.constant 0 : i32
          %dma_wait3A_302 = arith.constant 0 : i32
          %dma_wait3A_303 = tpu.memref_slice %arg8[%select_n3A_294, %dma_wait3A_301, %dma_wait3A_302] : memref<2x8x128xi32, #tpu.memory_space<vmem>> -> memref<1x8x128xi32, #tpu.memory_space<vmem>>
          %dma_wait3A_304 = tpu.memref_squeeze %dma_wait3A_303 : memref<1x8x128xi32, #tpu.memory_space<vmem>> -> memref<8x128xi32, #tpu.memory_space<vmem>>
          %dma_wait3A_305 = arith.constant 0 : i32
          %dma_wait3A_306 = tpu.memref_slice %arg5[%select_n3A, %dma_wait3A_305] : memref<2560x128xi32, #tpu.memory_space<hbm>> -> memref<8x128xi32, #tpu.memory_space<hbm>>
          tpu.wait_dma2 semaphore(%arg13 : memref<!tpu.dma_semaphore, #tpu.memory_space<semaphore_mem>>) src(%dma_wait3A_306 : memref<8x128xi32, #tpu.memory_space<hbm>>) dst(%dma_wait3A_304 : memref<8x128xi32, #tpu.memory_space<vmem>>)
        } else {
        }
        %add3A_216 = arith.constant 2 : i32
        %add3A_217 = arith.addi %while3A_106, %add3A_216 : i32
        %lt3A_218 = arith.cmpi slt, %add3A_217, %select_n3A_10 : i32
        %convert_element_type3A_219 = arith.extui %lt3A_218 : i1 to i32
        %cond3A_220 = arith.constant 0 : i32
        %cond3A_221 = arith.cmpi ne, %convert_element_type3A_219, %cond3A_220 : i32
        scf.if %cond3A_221 {
          %add3A_247 = arith.constant 2 : i32
          %add3A_248 = arith.addi %while3A_106, %add3A_247 : i32
          %jit3A_249 = arith.constant 8 : i32
          %div3A_250 = arith.divsi %add3A_248, %jit3A_249 : i32
          %sign3A_251 = arith.constant 0 : i32
          %sign3A_252 = arith.cmpi sgt, %add3A_248, %sign3A_251 : i32
          %sign3A_253 = arith.extui %sign3A_252 : i1 to i32
          %sign3A_254 = arith.constant 0 : i32
          %sign3A_255 = arith.cmpi slt, %add3A_248, %sign3A_254 : i32
          %sign3A_256 = arith.extui %sign3A_255 : i1 to i32
          %sign3A_257 = arith.subi %sign3A_253, %sign3A_256 : i32
          %sign3A_258 = arith.constant 0 : i32
          %sign3A_259 = arith.cmpi sgt, %jit3A_249, %sign3A_258 : i32
          %sign3A_260 = arith.extui %sign3A_259 : i1 to i32
          %sign3A_261 = arith.constant 0 : i32
          %sign3A_262 = arith.cmpi slt, %jit3A_249, %sign3A_261 : i32
          %sign3A_263 = arith.extui %sign3A_262 : i1 to i32
          %sign3A_264 = arith.subi %sign3A_260, %sign3A_263 : i32
          %ne3A_265 = arith.cmpi ne, %sign3A_257, %sign3A_264 : i32
          %rem3A_266 = arith.remsi %add3A_248, %jit3A_249 : i32
          %ne3A_267 = arith.constant 0 : i32
          %ne3A_268 = arith.cmpi ne, %rem3A_266, %ne3A_267 : i32
          %and3A_269 = arith.andi %ne3A_265, %ne3A_268 : i1
          %sub3A_270 = arith.constant 1 : i32
          %sub3A_271 = arith.subi %div3A_250, %sub3A_270 : i32
          %select_n3A_272 = arith.select %and3A_269, %sub3A_271, %div3A_250 : i32
          %jit3A_273 = arith.constant 2 : i32
          %eq3A_274 = arith.constant 0 : i32
          %eq3A_275 = arith.cmpi eq, %jit3A_273, %eq3A_274 : i32
          %jit3A_276 = arith.constant 1 : i32
          %select_n3A_277 = arith.select %eq3A_275, %jit3A_276, %jit3A_273 : i32
          %rem3A_278 = arith.remsi %select_n3A_272, %select_n3A_277 : i32
          %ne3A_279 = arith.constant 0 : i32
          %ne3A_280 = arith.cmpi ne, %rem3A_278, %ne3A_279 : i32
          %lt3A_281 = arith.constant 0 : i32
          %lt3A_282 = arith.cmpi slt, %rem3A_278, %lt3A_281 : i32
          %lt3A_283 = arith.constant 0 : i32
          %lt3A_284 = arith.cmpi slt, %select_n3A_277, %lt3A_283 : i32
          %ne3A_285 = arith.xori %lt3A_282, %lt3A_284 : i1
          %and3A_286 = arith.andi %ne3A_285, %ne3A_280 : i1
          %add3A_287 = arith.addi %rem3A_278, %select_n3A_277 : i32
          %select_n3A_288 = arith.select %and3A_286, %add3A_287, %rem3A_278 : i32
          %jit3A_289 = arith.constant 8 : i32
          %eq3A_290 = arith.constant 0 : i32
          %eq3A_291 = arith.cmpi eq, %jit3A_289, %eq3A_290 : i32
          %jit3A_292 = arith.constant 1 : i32
          %select_n3A_293 = arith.select %eq3A_291, %jit3A_292, %jit3A_289 : i32
          %rem3A_294 = arith.remsi %add3A_248, %select_n3A_293 : i32
          %ne3A_295 = arith.constant 0 : i32
          %ne3A_296 = arith.cmpi ne, %rem3A_294, %ne3A_295 : i32
          %lt3A_297 = arith.constant 0 : i32
          %lt3A_298 = arith.cmpi slt, %rem3A_294, %lt3A_297 : i32
          %lt3A_299 = arith.constant 0 : i32
          %lt3A_300 = arith.cmpi slt, %select_n3A_293, %lt3A_299 : i32
          %ne3A_301 = arith.xori %lt3A_298, %lt3A_300 : i1
          %and3A_302 = arith.andi %ne3A_301, %ne3A_296 : i1
          %add3A_303 = arith.addi %rem3A_294, %select_n3A_293 : i32
          %select_n3A_304 = arith.select %and3A_302, %add3A_303, %rem3A_294 : i32
          %dma_start3A_305 = arith.constant 0 : i32
          %dma_start3A_306 = arith.constant 0 : i32
          %dma_start3A_307 = tpu.memref_slice %arg9[%select_n3A_121, %dma_start3A_305, %dma_start3A_306] : memref<2x128x128xf32, #tpu.memory_space<vmem>> -> memref<1x128x128xf32, #tpu.memory_space<vmem>>
          %dma_start3A_308 = tpu.memref_squeeze %dma_start3A_307 : memref<1x128x128xf32, #tpu.memory_space<vmem>> -> memref<128x128xf32, #tpu.memory_space<vmem>>
          %dma_start3A_309 = arith.constant 0 : i32
          %dma_start3A_310 = tpu.memref_slice %arg7[%select_n3A_288, %select_n3A_304, %dma_start3A_309] : memref<2x8x128xi32, #tpu.memory_space<vmem>> -> memref<1x1x128xi32, #tpu.memory_space<vmem>>
          %dma_start3A_311 = tpu.memref_squeeze %dma_start3A_310 : memref<1x1x128xi32, #tpu.memory_space<vmem>> -> memref<128xi32, #tpu.memory_space<vmem>>
          %dma_start3A_312 = arith.constant 0 : i32
          %dma_start3A_313 = arith.constant 0 : i32
          %dma_start3A_314 = tpu.memref_slice %arg2[%dma_start3A_312, %dma_start3A_313] : memref<10000x128xf32, #tpu.memory_space<hbm>> -> memref<10000x128xf32, #tpu.memory_space<hbm>>
          %dma_start3A_315 = tpu.memref_slice %arg11[%select_n3A_121] : memref<2x!tpu.dma_semaphore, #tpu.memory_space<semaphore_mem>> -> memref<1x!tpu.dma_semaphore, #tpu.memory_space<semaphore_mem>>
          %dma_start3A_316 = tpu.memref_squeeze %dma_start3A_315 : memref<1x!tpu.dma_semaphore, #tpu.memory_space<semaphore_mem>> -> memref<!tpu.dma_semaphore, #tpu.memory_space<semaphore_mem>>
          tpu.enqueue_indirect_dma source(%dma_start3A_314 : memref<10000x128xf32, #tpu.memory_space<hbm>>) target(%dma_start3A_308 : memref<128x128xf32, #tpu.memory_space<vmem>>) offsets(%dma_start3A_311 : memref<128xi32, #tpu.memory_space<vmem>>) semaphore(%dma_start3A_316 : memref<!tpu.dma_semaphore, #tpu.memory_space<semaphore_mem>>)
        } else {
        }
        %jit3A_222 = arith.constant 8 : i32
        %eq3A_223 = arith.constant 0 : i32
        %eq3A_224 = arith.cmpi eq, %jit3A_222, %eq3A_223 : i32
        %jit3A_225 = arith.constant 1 : i32
        %select_n3A_226 = arith.select %eq3A_224, %jit3A_225, %jit3A_222 : i32
        %rem3A_227 = arith.remsi %while3A_106, %select_n3A_226 : i32
        %ne3A_228 = arith.constant 0 : i32
        %ne3A_229 = arith.cmpi ne, %rem3A_227, %ne3A_228 : i32
        %lt3A_230 = arith.constant 0 : i32
        %lt3A_231 = arith.cmpi slt, %rem3A_227, %lt3A_230 : i32
        %lt3A_232 = arith.constant 0 : i32
        %lt3A_233 = arith.cmpi slt, %select_n3A_226, %lt3A_232 : i32
        %ne3A_234 = arith.xori %lt3A_231, %lt3A_233 : i1
        %and3A_235 = arith.andi %ne3A_234, %ne3A_229 : i1
        %add3A_236 = arith.addi %rem3A_227, %select_n3A_226 : i32
        %select_n3A_237 = arith.select %and3A_235, %add3A_236, %rem3A_227 : i32
        %eq3A_238 = arith.constant 7 : i32
        %eq3A_239 = arith.cmpi eq, %select_n3A_237, %eq3A_238 : i32
        %add3A_240 = arith.constant 2 : i32
        %add3A_241 = arith.addi %select_n3A_145, %add3A_240 : i32
        %lt3A_242 = arith.cmpi slt, %add3A_241, %select_n3A_34 : i32
        %and3A_243 = arith.andi %eq3A_239, %lt3A_242 : i1
        %convert_element_type3A_244 = arith.extui %and3A_243 : i1 to i32
        %cond3A_245 = arith.constant 0 : i32
        %cond3A_246 = arith.cmpi ne, %convert_element_type3A_244, %cond3A_245 : i32
        scf.if %cond3A_246 {
          %add3A_247 = arith.constant 2 : i32
          %add3A_248 = arith.addi %select_n3A_145, %add3A_247 : i32
          %mul3A_249 = arith.constant 8 : i32
          %mul3A_250 = arith.muli %add3A_248, %mul3A_249 : i32
          %add3A_251 = arith.addi %select_n3A, %mul3A_250 : i32
          %jit3A_252 = arith.constant 2 : i32
          %eq3A_253 = arith.constant 0 : i32
          %eq3A_254 = arith.cmpi eq, %jit3A_252, %eq3A_253 : i32
          %jit3A_255 = arith.constant 1 : i32
          %select_n3A_256 = arith.select %eq3A_254, %jit3A_255, %jit3A_252 : i32
          %rem3A_257 = arith.remsi %select_n3A_145, %select_n3A_256 : i32
          %ne3A_258 = arith.constant 0 : i32
          %ne3A_259 = arith.cmpi ne, %rem3A_257, %ne3A_258 : i32
          %lt3A_260 = arith.constant 0 : i32
          %lt3A_261 = arith.cmpi slt, %rem3A_257, %lt3A_260 : i32
          %lt3A_262 = arith.constant 0 : i32
          %lt3A_263 = arith.cmpi slt, %select_n3A_256, %lt3A_262 : i32
          %ne3A_264 = arith.xori %lt3A_261, %lt3A_263 : i1
          %and3A_265 = arith.andi %ne3A_264, %ne3A_259 : i1
          %add3A_266 = arith.addi %rem3A_257, %select_n3A_256 : i32
          %select_n3A_267 = arith.select %and3A_265, %add3A_266, %rem3A_257 : i32
          %dma_start3A_268 = arith.constant 0 : i32
          %dma_start3A_269 = arith.constant 0 : i32
          %dma_start3A_270 = tpu.memref_slice %arg7[%select_n3A_267, %dma_start3A_268, %dma_start3A_269] : memref<2x8x128xi32, #tpu.memory_space<vmem>> -> memref<1x8x128xi32, #tpu.memory_space<vmem>>
          %dma_start3A_271 = tpu.memref_squeeze %dma_start3A_270 : memref<1x8x128xi32, #tpu.memory_space<vmem>> -> memref<8x128xi32, #tpu.memory_space<vmem>>
          %dma_start3A_272 = arith.constant 0 : i32
          %dma_start3A_273 = tpu.memref_slice %arg4[%add3A_251, %dma_start3A_272] : memref<2560x128xi32, #tpu.memory_space<hbm>> -> memref<8x128xi32, #tpu.memory_space<hbm>>
          %dma_start3A_274 = arith.constant 0 : i32
          %dma_start3A_275 = arith.constant 0 : i32
          %dma_start3A_276 = tpu.memref_slice %arg7[%select_n3A_267, %dma_start3A_274, %dma_start3A_275] : memref<2x8x128xi32, #tpu.memory_space<vmem>> -> memref<1x8x128xi32, #tpu.memory_space<vmem>>
          %dma_start3A_277 = tpu.memref_squeeze %dma_start3A_276 : memref<1x8x128xi32, #tpu.memory_space<vmem>> -> memref<8x128xi32, #tpu.memory_space<vmem>>
          %dma_start3A_278 = arith.constant 0 : i32
          %dma_start3A_279 = tpu.memref_slice %arg4[%add3A_251, %dma_start3A_278] : memref<2560x128xi32, #tpu.memory_space<hbm>> -> memref<8x128xi32, #tpu.memory_space<hbm>>
          tpu.enqueue_dma source(%dma_start3A_279 : memref<8x128xi32, #tpu.memory_space<hbm>>) target(%dma_start3A_277 : memref<8x128xi32, #tpu.memory_space<vmem>>) target_semaphore(%arg12 : memref<!tpu.dma_semaphore, #tpu.memory_space<semaphore_mem>>)
          %jit3A_280 = arith.constant 2 : i32
          %eq3A_281 = arith.constant 0 : i32
          %eq3A_282 = arith.cmpi eq, %jit3A_280, %eq3A_281 : i32
          %jit3A_283 = arith.constant 1 : i32
          %select_n3A_284 = arith.select %eq3A_282, %jit3A_283, %jit3A_280 : i32
          %rem3A_285 = arith.remsi %select_n3A_145, %select_n3A_284 : i32
          %ne3A_286 = arith.constant 0 : i32
          %ne3A_287 = arith.cmpi ne, %rem3A_285, %ne3A_286 : i32
          %lt3A_288 = arith.constant 0 : i32
          %lt3A_289 = arith.cmpi slt, %rem3A_285, %lt3A_288 : i32
          %lt3A_290 = arith.constant 0 : i32
          %lt3A_291 = arith.cmpi slt, %select_n3A_284, %lt3A_290 : i32
          %ne3A_292 = arith.xori %lt3A_289, %lt3A_291 : i1
          %and3A_293 = arith.andi %ne3A_292, %ne3A_287 : i1
          %add3A_294 = arith.addi %rem3A_285, %select_n3A_284 : i32
          %select_n3A_295 = arith.select %and3A_293, %add3A_294, %rem3A_285 : i32
          %dma_start3A_296 = arith.constant 0 : i32
          %dma_start3A_297 = arith.constant 0 : i32
          %dma_start3A_298 = tpu.memref_slice %arg8[%select_n3A_295, %dma_start3A_296, %dma_start3A_297] : memref<2x8x128xi32, #tpu.memory_space<vmem>> -> memref<1x8x128xi32, #tpu.memory_space<vmem>>
          %dma_start3A_299 = tpu.memref_squeeze %dma_start3A_298 : memref<1x8x128xi32, #tpu.memory_space<vmem>> -> memref<8x128xi32, #tpu.memory_space<vmem>>
          %dma_start3A_300 = arith.constant 0 : i32
          %dma_start3A_301 = tpu.memref_slice %arg5[%add3A_251, %dma_start3A_300] : memref<2560x128xi32, #tpu.memory_space<hbm>> -> memref<8x128xi32, #tpu.memory_space<hbm>>
          %dma_start3A_302 = arith.constant 0 : i32
          %dma_start3A_303 = arith.constant 0 : i32
          %dma_start3A_304 = tpu.memref_slice %arg8[%select_n3A_295, %dma_start3A_302, %dma_start3A_303] : memref<2x8x128xi32, #tpu.memory_space<vmem>> -> memref<1x8x128xi32, #tpu.memory_space<vmem>>
          %dma_start3A_305 = tpu.memref_squeeze %dma_start3A_304 : memref<1x8x128xi32, #tpu.memory_space<vmem>> -> memref<8x128xi32, #tpu.memory_space<vmem>>
          %dma_start3A_306 = arith.constant 0 : i32
          %dma_start3A_307 = tpu.memref_slice %arg5[%add3A_251, %dma_start3A_306] : memref<2560x128xi32, #tpu.memory_space<hbm>> -> memref<8x128xi32, #tpu.memory_space<hbm>>
          tpu.enqueue_dma source(%dma_start3A_307 : memref<8x128xi32, #tpu.memory_space<hbm>>) target(%dma_start3A_305 : memref<8x128xi32, #tpu.memory_space<vmem>>) target_semaphore(%arg13 : memref<!tpu.dma_semaphore, #tpu.memory_space<semaphore_mem>>)
        } else {
        }
      }
      %while3A_105 = arith.constant 1 : i32
      scf.for %while3A_106 = %while3A_103 to %while3A_99 step %while3A_105  : i32 {
        %jit3A_107 = arith.constant 2 : i32
        %eq3A_108 = arith.constant 0 : i32
        %eq3A_109 = arith.cmpi eq, %jit3A_107, %eq3A_108 : i32
        %jit3A_110 = arith.constant 1 : i32
        %select_n3A_111 = arith.select %eq3A_109, %jit3A_110, %jit3A_107 : i32
        %rem3A_112 = arith.remsi %while3A_106, %select_n3A_111 : i32
        %ne3A_113 = arith.constant 0 : i32
        %ne3A_114 = arith.cmpi ne, %rem3A_112, %ne3A_113 : i32
        %lt3A = arith.constant 0 : i32
        %lt3A_115 = arith.cmpi slt, %rem3A_112, %lt3A : i32
        %lt3A_116 = arith.constant 0 : i32
        %lt3A_117 = arith.cmpi slt, %select_n3A_111, %lt3A_116 : i32
        %ne3A_118 = arith.xori %lt3A_115, %lt3A_117 : i1
        %and3A_119 = arith.andi %ne3A_118, %ne3A_114 : i1
        %add3A_120 = arith.addi %rem3A_112, %select_n3A_111 : i32
        %select_n3A_121 = arith.select %and3A_119, %add3A_120, %rem3A_112 : i32
        %jit3A_122 = arith.constant 8 : i32
        %div3A_123 = arith.divsi %while3A_106, %jit3A_122 : i32
        %sign3A_124 = arith.constant 0 : i32
        %sign3A_125 = arith.cmpi sgt, %while3A_106, %sign3A_124 : i32
        %sign3A_126 = arith.extui %sign3A_125 : i1 to i32
        %sign3A_127 = arith.constant 0 : i32
        %sign3A_128 = arith.cmpi slt, %while3A_106, %sign3A_127 : i32
        %sign3A_129 = arith.extui %sign3A_128 : i1 to i32
        %sign3A_130 = arith.subi %sign3A_126, %sign3A_129 : i32
        %sign3A_131 = arith.constant 0 : i32
        %sign3A_132 = arith.cmpi sgt, %jit3A_122, %sign3A_131 : i32
        %sign3A_133 = arith.extui %sign3A_132 : i1 to i32
        %sign3A_134 = arith.constant 0 : i32
        %sign3A_135 = arith.cmpi slt, %jit3A_122, %sign3A_134 : i32
        %sign3A_136 = arith.extui %sign3A_135 : i1 to i32
        %sign3A_137 = arith.subi %sign3A_133, %sign3A_136 : i32
        %ne3A_138 = arith.cmpi ne, %sign3A_130, %sign3A_137 : i32
        %rem3A_139 = arith.remsi %while3A_106, %jit3A_122 : i32
        %ne3A_140 = arith.constant 0 : i32
        %ne3A_141 = arith.cmpi ne, %rem3A_139, %ne3A_140 : i32
        %and3A_142 = arith.andi %ne3A_138, %ne3A_141 : i1
        %sub3A_143 = arith.constant 1 : i32
        %sub3A_144 = arith.subi %div3A_123, %sub3A_143 : i32
        %select_n3A_145 = arith.select %and3A_142, %sub3A_144, %div3A_123 : i32
        %dma_wait3A = arith.constant 0 : i32
        %dma_wait3A_146 = arith.constant 0 : i32
        %dma_wait3A_147 = arith.constant 0 : i32
        %dma_wait3A_148 = arith.constant 0 : i32
        %dma_wait3A_149 = tpu.memref_slice %arg9[%select_n3A_121, %dma_wait3A_147, %dma_wait3A_148] : memref<2x128x128xf32, #tpu.memory_space<vmem>> -> memref<1x128x128xf32, #tpu.memory_space<vmem>>
        %dma_wait3A_150 = tpu.memref_squeeze %dma_wait3A_149 : memref<1x128x128xf32, #tpu.memory_space<vmem>> -> memref<128x128xf32, #tpu.memory_space<vmem>>
        %dma_wait3A_151 = arith.constant 0 : i32
        %dma_wait3A_152 = tpu.memref_slice %arg7[%dma_wait3A, %dma_wait3A_146, %dma_wait3A_151] : memref<2x8x128xi32, #tpu.memory_space<vmem>> -> memref<1x1x128xi32, #tpu.memory_space<vmem>>
        %dma_wait3A_153 = tpu.memref_squeeze %dma_wait3A_152 : memref<1x1x128xi32, #tpu.memory_space<vmem>> -> memref<128xi32, #tpu.memory_space<vmem>>
        %dma_wait3A_154 = arith.constant 0 : i32
        %dma_wait3A_155 = arith.constant 0 : i32
        %dma_wait3A_156 = tpu.memref_slice %arg2[%dma_wait3A_154, %dma_wait3A_155] : memref<10000x128xf32, #tpu.memory_space<hbm>> -> memref<10000x128xf32, #tpu.memory_space<hbm>>
        %dma_wait3A_157 = tpu.memref_slice %arg11[%select_n3A_121] : memref<2x!tpu.dma_semaphore, #tpu.memory_space<semaphore_mem>> -> memref<1x!tpu.dma_semaphore, #tpu.memory_space<semaphore_mem>>
        %dma_wait3A_158 = tpu.memref_squeeze %dma_wait3A_157 : memref<1x!tpu.dma_semaphore, #tpu.memory_space<semaphore_mem>> -> memref<!tpu.dma_semaphore, #tpu.memory_space<semaphore_mem>>
        tpu.wait_indirect_dma semaphore(%dma_wait3A_158 : memref<!tpu.dma_semaphore, #tpu.memory_space<semaphore_mem>>) src(%dma_wait3A_156 : memref<10000x128xf32, #tpu.memory_space<hbm>>) dst(%dma_wait3A_150 : memref<128x128xf32, #tpu.memory_space<vmem>>)
        %jit3A_159 = arith.constant 2 : i32
        %eq3A_160 = arith.constant 0 : i32
        %eq3A_161 = arith.cmpi eq, %jit3A_159, %eq3A_160 : i32
        %jit3A_162 = arith.constant 1 : i32
        %select_n3A_163 = arith.select %eq3A_161, %jit3A_162, %jit3A_159 : i32
        %rem3A_164 = arith.remsi %select_n3A_145, %select_n3A_163 : i32
        %ne3A_165 = arith.constant 0 : i32
        %ne3A_166 = arith.cmpi ne, %rem3A_164, %ne3A_165 : i32
        %lt3A_167 = arith.constant 0 : i32
        %lt3A_168 = arith.cmpi slt, %rem3A_164, %lt3A_167 : i32
        %lt3A_169 = arith.constant 0 : i32
        %lt3A_170 = arith.cmpi slt, %select_n3A_163, %lt3A_169 : i32
        %ne3A_171 = arith.xori %lt3A_168, %lt3A_170 : i1
        %and3A_172 = arith.andi %ne3A_171, %ne3A_166 : i1
        %add3A_173 = arith.addi %rem3A_164, %select_n3A_163 : i32
        %select_n3A_174 = arith.select %and3A_172, %add3A_173, %rem3A_164 : i32
        %jit3A_175 = arith.constant 8 : i32
        %eq3A_176 = arith.constant 0 : i32
        %eq3A_177 = arith.cmpi eq, %jit3A_175, %eq3A_176 : i32
        %jit3A_178 = arith.constant 1 : i32
        %select_n3A_179 = arith.select %eq3A_177, %jit3A_178, %jit3A_175 : i32
        %rem3A_180 = arith.remsi %while3A_106, %select_n3A_179 : i32
        %ne3A_181 = arith.constant 0 : i32
        %ne3A_182 = arith.cmpi ne, %rem3A_180, %ne3A_181 : i32
        %lt3A_183 = arith.constant 0 : i32
        %lt3A_184 = arith.cmpi slt, %rem3A_180, %lt3A_183 : i32
        %lt3A_185 = arith.constant 0 : i32
        %lt3A_186 = arith.cmpi slt, %select_n3A_179, %lt3A_185 : i32
        %ne3A_187 = arith.xori %lt3A_184, %lt3A_186 : i1
        %and3A_188 = arith.andi %ne3A_187, %ne3A_182 : i1
        %add3A_189 = arith.addi %rem3A_180, %select_n3A_179 : i32
        %select_n3A_190 = arith.select %and3A_188, %add3A_189, %rem3A_180 : i32
        "tpu.region"() ({
          %run_scoped3A_247 = tpu.sem_alloc : memref<!tpu.dma_semaphore, #tpu.memory_space<semaphore_mem>>
          %dma_start3A_248 = arith.constant 0 : i32
          %dma_start3A_249 = arith.constant 0 : i32
          %dma_start3A_250 = tpu.memref_slice %arg9[%select_n3A_121, %dma_start3A_248, %dma_start3A_249] : memref<2x128x128xf32, #tpu.memory_space<vmem>> -> memref<1x128x128xf32, #tpu.memory_space<vmem>>
          %dma_start3A_251 = tpu.memref_squeeze %dma_start3A_250 : memref<1x128x128xf32, #tpu.memory_space<vmem>> -> memref<128x128xf32, #tpu.memory_space<vmem>>
          %dma_start3A_252 = arith.constant 0 : i32
          %dma_start3A_253 = tpu.memref_slice %arg8[%select_n3A_174, %select_n3A_190, %dma_start3A_252] : memref<2x8x128xi32, #tpu.memory_space<vmem>> -> memref<1x1x128xi32, #tpu.memory_space<vmem>>
          %dma_start3A_254 = tpu.memref_squeeze %dma_start3A_253 : memref<1x1x128xi32, #tpu.memory_space<vmem>> -> memref<128xi32, #tpu.memory_space<vmem>>
          %dma_start3A_255 = arith.constant 0 : i32
          %dma_start3A_256 = arith.constant 0 : i32
          %dma_start3A_257 = tpu.memref_slice %arg10[%dma_start3A_255, %dma_start3A_256] : memref<10240x128xf32, #tpu.memory_space<vmem_shared>> -> memref<10240x128xf32, #tpu.memory_space<vmem_shared>>
          tpu.enqueue_indirect_dma source(%dma_start3A_251 : memref<128x128xf32, #tpu.memory_space<vmem>>) target(%dma_start3A_257 : memref<10240x128xf32, #tpu.memory_space<vmem_shared>>) offsets(%dma_start3A_254 : memref<128xi32, #tpu.memory_space<vmem>>) semaphore(%run_scoped3A_247 : memref<!tpu.dma_semaphore, #tpu.memory_space<semaphore_mem>>) {add = true}
          %dma_wait3A_258 = arith.constant 0 : i32
          %dma_wait3A_259 = arith.constant 0 : i32
          %dma_wait3A_260 = tpu.memref_slice %arg9[%select_n3A_121, %dma_wait3A_258, %dma_wait3A_259] : memref<2x128x128xf32, #tpu.memory_space<vmem>> -> memref<1x128x128xf32, #tpu.memory_space<vmem>>
          %dma_wait3A_261 = tpu.memref_squeeze %dma_wait3A_260 : memref<1x128x128xf32, #tpu.memory_space<vmem>> -> memref<128x128xf32, #tpu.memory_space<vmem>>
          %dma_wait3A_262 = arith.constant 0 : i32
          %dma_wait3A_263 = tpu.memref_slice %arg8[%select_n3A_174, %select_n3A_190, %dma_wait3A_262] : memref<2x8x128xi32, #tpu.memory_space<vmem>> -> memref<1x1x128xi32, #tpu.memory_space<vmem>>
          %dma_wait3A_264 = tpu.memref_squeeze %dma_wait3A_263 : memref<1x1x128xi32, #tpu.memory_space<vmem>> -> memref<128xi32, #tpu.memory_space<vmem>>
          %dma_wait3A_265 = arith.constant 0 : i32
          %dma_wait3A_266 = arith.constant 0 : i32
          %dma_wait3A_267 = tpu.memref_slice %arg10[%dma_wait3A_265, %dma_wait3A_266] : memref<10240x128xf32, #tpu.memory_space<vmem_shared>> -> memref<10240x128xf32, #tpu.memory_space<vmem_shared>>
          tpu.wait_indirect_dma semaphore(%run_scoped3A_247 : memref<!tpu.dma_semaphore, #tpu.memory_space<semaphore_mem>>) src(%dma_wait3A_261 : memref<128x128xf32, #tpu.memory_space<vmem>>) dst(%dma_wait3A_267 : memref<10240x128xf32, #tpu.memory_space<vmem_shared>>)
          tpu.yield
        }) : () -> ()
        %jit3A_191 = arith.constant 8 : i32
        %eq3A_192 = arith.constant 0 : i32
        %eq3A_193 = arith.cmpi eq, %jit3A_191, %eq3A_192 : i32
        %jit3A_194 = arith.constant 1 : i32
        %select_n3A_195 = arith.select %eq3A_193, %jit3A_194, %jit3A_191 : i32
        %rem3A_196 = arith.remsi %while3A_106, %select_n3A_195 : i32
        %ne3A_197 = arith.constant 0 : i32
        %ne3A_198 = arith.cmpi ne, %rem3A_196, %ne3A_197 : i32
        %lt3A_199 = arith.constant 0 : i32
        %lt3A_200 = arith.cmpi slt, %rem3A_196, %lt3A_199 : i32
        %lt3A_201 = arith.constant 0 : i32
        %lt3A_202 = arith.cmpi slt, %select_n3A_195, %lt3A_201 : i32
        %ne3A_203 = arith.xori %lt3A_200, %lt3A_202 : i1
        %and3A_204 = arith.andi %ne3A_203, %ne3A_198 : i1
        %add3A_205 = arith.addi %rem3A_196, %select_n3A_195 : i32
        %select_n3A_206 = arith.select %and3A_204, %add3A_205, %rem3A_196 : i32
        %eq3A_207 = arith.constant 6 : i32
        %eq3A_208 = arith.cmpi eq, %select_n3A_206, %eq3A_207 : i32
        %add3A_209 = arith.constant 2 : i32
        %add3A_210 = arith.addi %while3A_106, %add3A_209 : i32
        %lt3A_211 = arith.cmpi slt, %add3A_210, %select_n3A_10 : i32
        %and3A_212 = arith.andi %eq3A_208, %lt3A_211 : i1
        %convert_element_type3A_213 = arith.extui %and3A_212 : i1 to i32
        %cond3A_214 = arith.constant 0 : i32
        %cond3A_215 = arith.cmpi ne, %convert_element_type3A_213, %cond3A_214 : i32
        scf.if %cond3A_215 {
          %add3A_247 = arith.constant 1 : i32
          %add3A_248 = arith.addi %select_n3A_145, %add3A_247 : i32
          %jit3A_249 = arith.constant 2 : i32
          %eq3A_250 = arith.constant 0 : i32
          %eq3A_251 = arith.cmpi eq, %jit3A_249, %eq3A_250 : i32
          %jit3A_252 = arith.constant 1 : i32
          %select_n3A_253 = arith.select %eq3A_251, %jit3A_252, %jit3A_249 : i32
          %rem3A_254 = arith.remsi %add3A_248, %select_n3A_253 : i32
          %ne3A_255 = arith.constant 0 : i32
          %ne3A_256 = arith.cmpi ne, %rem3A_254, %ne3A_255 : i32
          %lt3A_257 = arith.constant 0 : i32
          %lt3A_258 = arith.cmpi slt, %rem3A_254, %lt3A_257 : i32
          %lt3A_259 = arith.constant 0 : i32
          %lt3A_260 = arith.cmpi slt, %select_n3A_253, %lt3A_259 : i32
          %ne3A_261 = arith.xori %lt3A_258, %lt3A_260 : i1
          %and3A_262 = arith.andi %ne3A_261, %ne3A_256 : i1
          %add3A_263 = arith.addi %rem3A_254, %select_n3A_253 : i32
          %select_n3A_264 = arith.select %and3A_262, %add3A_263, %rem3A_254 : i32
          %dma_wait3A_265 = arith.constant 0 : i32
          %dma_wait3A_266 = arith.constant 0 : i32
          %dma_wait3A_267 = tpu.memref_slice %arg7[%select_n3A_264, %dma_wait3A_265, %dma_wait3A_266] : memref<2x8x128xi32, #tpu.memory_space<vmem>> -> memref<1x8x128xi32, #tpu.memory_space<vmem>>
          %dma_wait3A_268 = tpu.memref_squeeze %dma_wait3A_267 : memref<1x8x128xi32, #tpu.memory_space<vmem>> -> memref<8x128xi32, #tpu.memory_space<vmem>>
          %dma_wait3A_269 = arith.constant 0 : i32
          %dma_wait3A_270 = tpu.memref_slice %arg4[%select_n3A, %dma_wait3A_269] : memref<2560x128xi32, #tpu.memory_space<hbm>> -> memref<8x128xi32, #tpu.memory_space<hbm>>
          %dma_wait3A_271 = arith.constant 0 : i32
          %dma_wait3A_272 = arith.constant 0 : i32
          %dma_wait3A_273 = tpu.memref_slice %arg7[%select_n3A_264, %dma_wait3A_271, %dma_wait3A_272] : memref<2x8x128xi32, #tpu.memory_space<vmem>> -> memref<1x8x128xi32, #tpu.memory_space<vmem>>
          %dma_wait3A_274 = tpu.memref_squeeze %dma_wait3A_273 : memref<1x8x128xi32, #tpu.memory_space<vmem>> -> memref<8x128xi32, #tpu.memory_space<vmem>>
          %dma_wait3A_275 = arith.constant 0 : i32
          %dma_wait3A_276 = tpu.memref_slice %arg4[%select_n3A, %dma_wait3A_275] : memref<2560x128xi32, #tpu.memory_space<hbm>> -> memref<8x128xi32, #tpu.memory_space<hbm>>
          tpu.wait_dma2 semaphore(%arg12 : memref<!tpu.dma_semaphore, #tpu.memory_space<semaphore_mem>>) src(%dma_wait3A_276 : memref<8x128xi32, #tpu.memory_space<hbm>>) dst(%dma_wait3A_274 : memref<8x128xi32, #tpu.memory_space<vmem>>)
          %add3A_277 = arith.constant 1 : i32
          %add3A_278 = arith.addi %select_n3A_145, %add3A_277 : i32
          %jit3A_279 = arith.constant 2 : i32
          %eq3A_280 = arith.constant 0 : i32
          %eq3A_281 = arith.cmpi eq, %jit3A_279, %eq3A_280 : i32
          %jit3A_282 = arith.constant 1 : i32
          %select_n3A_283 = arith.select %eq3A_281, %jit3A_282, %jit3A_279 : i32
          %rem3A_284 = arith.remsi %add3A_278, %select_n3A_283 : i32
          %ne3A_285 = arith.constant 0 : i32
          %ne3A_286 = arith.cmpi ne, %rem3A_284, %ne3A_285 : i32
          %lt3A_287 = arith.constant 0 : i32
          %lt3A_288 = arith.cmpi slt, %rem3A_284, %lt3A_287 : i32
          %lt3A_289 = arith.constant 0 : i32
          %lt3A_290 = arith.cmpi slt, %select_n3A_283, %lt3A_289 : i32
          %ne3A_291 = arith.xori %lt3A_288, %lt3A_290 : i1
          %and3A_292 = arith.andi %ne3A_291, %ne3A_286 : i1
          %add3A_293 = arith.addi %rem3A_284, %select_n3A_283 : i32
          %select_n3A_294 = arith.select %and3A_292, %add3A_293, %rem3A_284 : i32
          %dma_wait3A_295 = arith.constant 0 : i32
          %dma_wait3A_296 = arith.constant 0 : i32
          %dma_wait3A_297 = tpu.memref_slice %arg8[%select_n3A_294, %dma_wait3A_295, %dma_wait3A_296] : memref<2x8x128xi32, #tpu.memory_space<vmem>> -> memref<1x8x128xi32, #tpu.memory_space<vmem>>
          %dma_wait3A_298 = tpu.memref_squeeze %dma_wait3A_297 : memref<1x8x128xi32, #tpu.memory_space<vmem>> -> memref<8x128xi32, #tpu.memory_space<vmem>>
          %dma_wait3A_299 = arith.constant 0 : i32
          %dma_wait3A_300 = tpu.memref_slice %arg5[%select_n3A, %dma_wait3A_299] : memref<2560x128xi32, #tpu.memory_space<hbm>> -> memref<8x128xi32, #tpu.memory_space<hbm>>
          %dma_wait3A_301 = arith.constant 0 : i32
          %dma_wait3A_302 = arith.constant 0 : i32
          %dma_wait3A_303 = tpu.memref_slice %arg8[%select_n3A_294, %dma_wait3A_301, %dma_wait3A_302] : memref<2x8x128xi32, #tpu.memory_space<vmem>> -> memref<1x8x128xi32, #tpu.memory_space<vmem>>
          %dma_wait3A_304 = tpu.memref_squeeze %dma_wait3A_303 : memref<1x8x128xi32, #tpu.memory_space<vmem>> -> memref<8x128xi32, #tpu.memory_space<vmem>>
          %dma_wait3A_305 = arith.constant 0 : i32
          %dma_wait3A_306 = tpu.memref_slice %arg5[%select_n3A, %dma_wait3A_305] : memref<2560x128xi32, #tpu.memory_space<hbm>> -> memref<8x128xi32, #tpu.memory_space<hbm>>
          tpu.wait_dma2 semaphore(%arg13 : memref<!tpu.dma_semaphore, #tpu.memory_space<semaphore_mem>>) src(%dma_wait3A_306 : memref<8x128xi32, #tpu.memory_space<hbm>>) dst(%dma_wait3A_304 : memref<8x128xi32, #tpu.memory_space<vmem>>)
        } else {
        }
        %add3A_216 = arith.constant 2 : i32
        %add3A_217 = arith.addi %while3A_106, %add3A_216 : i32
        %lt3A_218 = arith.cmpi slt, %add3A_217, %select_n3A_10 : i32
        %convert_element_type3A_219 = arith.extui %lt3A_218 : i1 to i32
        %cond3A_220 = arith.constant 0 : i32
        %cond3A_221 = arith.cmpi ne, %convert_element_type3A_219, %cond3A_220 : i32
        scf.if %cond3A_221 {
          %add3A_247 = arith.constant 2 : i32
          %add3A_248 = arith.addi %while3A_106, %add3A_247 : i32
          %jit3A_249 = arith.constant 8 : i32
          %div3A_250 = arith.divsi %add3A_248, %jit3A_249 : i32
          %sign3A_251 = arith.constant 0 : i32
          %sign3A_252 = arith.cmpi sgt, %add3A_248, %sign3A_251 : i32
          %sign3A_253 = arith.extui %sign3A_252 : i1 to i32
          %sign3A_254 = arith.constant 0 : i32
          %sign3A_255 = arith.cmpi slt, %add3A_248, %sign3A_254 : i32
          %sign3A_256 = arith.extui %sign3A_255 : i1 to i32
          %sign3A_257 = arith.subi %sign3A_253, %sign3A_256 : i32
          %sign3A_258 = arith.constant 0 : i32
          %sign3A_259 = arith.cmpi sgt, %jit3A_249, %sign3A_258 : i32
          %sign3A_260 = arith.extui %sign3A_259 : i1 to i32
          %sign3A_261 = arith.constant 0 : i32
          %sign3A_262 = arith.cmpi slt, %jit3A_249, %sign3A_261 : i32
          %sign3A_263 = arith.extui %sign3A_262 : i1 to i32
          %sign3A_264 = arith.subi %sign3A_260, %sign3A_263 : i32
          %ne3A_265 = arith.cmpi ne, %sign3A_257, %sign3A_264 : i32
          %rem3A_266 = arith.remsi %add3A_248, %jit3A_249 : i32
          %ne3A_267 = arith.constant 0 : i32
          %ne3A_268 = arith.cmpi ne, %rem3A_266, %ne3A_267 : i32
          %and3A_269 = arith.andi %ne3A_265, %ne3A_268 : i1
          %sub3A_270 = arith.constant 1 : i32
          %sub3A_271 = arith.subi %div3A_250, %sub3A_270 : i32
          %select_n3A_272 = arith.select %and3A_269, %sub3A_271, %div3A_250 : i32
          %jit3A_273 = arith.constant 2 : i32
          %eq3A_274 = arith.constant 0 : i32
          %eq3A_275 = arith.cmpi eq, %jit3A_273, %eq3A_274 : i32
          %jit3A_276 = arith.constant 1 : i32
          %select_n3A_277 = arith.select %eq3A_275, %jit3A_276, %jit3A_273 : i32
          %rem3A_278 = arith.remsi %select_n3A_272, %select_n3A_277 : i32
          %ne3A_279 = arith.constant 0 : i32
          %ne3A_280 = arith.cmpi ne, %rem3A_278, %ne3A_279 : i32
          %lt3A_281 = arith.constant 0 : i32
          %lt3A_282 = arith.cmpi slt, %rem3A_278, %lt3A_281 : i32
          %lt3A_283 = arith.constant 0 : i32
          %lt3A_284 = arith.cmpi slt, %select_n3A_277, %lt3A_283 : i32
          %ne3A_285 = arith.xori %lt3A_282, %lt3A_284 : i1
          %and3A_286 = arith.andi %ne3A_285, %ne3A_280 : i1
          %add3A_287 = arith.addi %rem3A_278, %select_n3A_277 : i32
          %select_n3A_288 = arith.select %and3A_286, %add3A_287, %rem3A_278 : i32
          %jit3A_289 = arith.constant 8 : i32
          %eq3A_290 = arith.constant 0 : i32
          %eq3A_291 = arith.cmpi eq, %jit3A_289, %eq3A_290 : i32
          %jit3A_292 = arith.constant 1 : i32
          %select_n3A_293 = arith.select %eq3A_291, %jit3A_292, %jit3A_289 : i32
          %rem3A_294 = arith.remsi %add3A_248, %select_n3A_293 : i32
          %ne3A_295 = arith.constant 0 : i32
          %ne3A_296 = arith.cmpi ne, %rem3A_294, %ne3A_295 : i32
          %lt3A_297 = arith.constant 0 : i32
          %lt3A_298 = arith.cmpi slt, %rem3A_294, %lt3A_297 : i32
          %lt3A_299 = arith.constant 0 : i32
          %lt3A_300 = arith.cmpi slt, %select_n3A_293, %lt3A_299 : i32
          %ne3A_301 = arith.xori %lt3A_298, %lt3A_300 : i1
          %and3A_302 = arith.andi %ne3A_301, %ne3A_296 : i1
          %add3A_303 = arith.addi %rem3A_294, %select_n3A_293 : i32
          %select_n3A_304 = arith.select %and3A_302, %add3A_303, %rem3A_294 : i32
          %dma_start3A_305 = arith.constant 0 : i32
          %dma_start3A_306 = arith.constant 0 : i32
          %dma_start3A_307 = tpu.memref_slice %arg9[%select_n3A_121, %dma_start3A_305, %dma_start3A_306] : memref<2x128x128xf32, #tpu.memory_space<vmem>> -> memref<1x128x128xf32, #tpu.memory_space<vmem>>
          %dma_start3A_308 = tpu.memref_squeeze %dma_start3A_307 : memref<1x128x128xf32, #tpu.memory_space<vmem>> -> memref<128x128xf32, #tpu.memory_space<vmem>>
          %dma_start3A_309 = arith.constant 0 : i32
          %dma_start3A_310 = tpu.memref_slice %arg7[%select_n3A_288, %select_n3A_304, %dma_start3A_309] : memref<2x8x128xi32, #tpu.memory_space<vmem>> -> memref<1x1x128xi32, #tpu.memory_space<vmem>>
          %dma_start3A_311 = tpu.memref_squeeze %dma_start3A_310 : memref<1x1x128xi32, #tpu.memory_space<vmem>> -> memref<128xi32, #tpu.memory_space<vmem>>
          %dma_start3A_312 = arith.constant 0 : i32
          %dma_start3A_313 = arith.constant 0 : i32
          %dma_start3A_314 = tpu.memref_slice %arg2[%dma_start3A_312, %dma_start3A_313] : memref<10000x128xf32, #tpu.memory_space<hbm>> -> memref<10000x128xf32, #tpu.memory_space<hbm>>
          %dma_start3A_315 = tpu.memref_slice %arg11[%select_n3A_121] : memref<2x!tpu.dma_semaphore, #tpu.memory_space<semaphore_mem>> -> memref<1x!tpu.dma_semaphore, #tpu.memory_space<semaphore_mem>>
          %dma_start3A_316 = tpu.memref_squeeze %dma_start3A_315 : memref<1x!tpu.dma_semaphore, #tpu.memory_space<semaphore_mem>> -> memref<!tpu.dma_semaphore, #tpu.memory_space<semaphore_mem>>
          tpu.enqueue_indirect_dma source(%dma_start3A_314 : memref<10000x128xf32, #tpu.memory_space<hbm>>) target(%dma_start3A_308 : memref<128x128xf32, #tpu.memory_space<vmem>>) offsets(%dma_start3A_311 : memref<128xi32, #tpu.memory_space<vmem>>) semaphore(%dma_start3A_316 : memref<!tpu.dma_semaphore, #tpu.memory_space<semaphore_mem>>)
        } else {
        }
        %jit3A_222 = arith.constant 8 : i32
        %eq3A_223 = arith.constant 0 : i32
        %eq3A_224 = arith.cmpi eq, %jit3A_222, %eq3A_223 : i32
        %jit3A_225 = arith.constant 1 : i32
        %select_n3A_226 = arith.select %eq3A_224, %jit3A_225, %jit3A_222 : i32
        %rem3A_227 = arith.remsi %while3A_106, %select_n3A_226 : i32
        %ne3A_228 = arith.constant 0 : i32
        %ne3A_229 = arith.cmpi ne, %rem3A_227, %ne3A_228 : i32
        %lt3A_230 = arith.constant 0 : i32
        %lt3A_231 = arith.cmpi slt, %rem3A_227, %lt3A_230 : i32
        %lt3A_232 = arith.constant 0 : i32
        %lt3A_233 = arith.cmpi slt, %select_n3A_226, %lt3A_232 : i32
        %ne3A_234 = arith.xori %lt3A_231, %lt3A_233 : i1
        %and3A_235 = arith.andi %ne3A_234, %ne3A_229 : i1
        %add3A_236 = arith.addi %rem3A_227, %select_n3A_226 : i32
        %select_n3A_237 = arith.select %and3A_235, %add3A_236, %rem3A_227 : i32
        %eq3A_238 = arith.constant 7 : i32
        %eq3A_239 = arith.cmpi eq, %select_n3A_237, %eq3A_238 : i32
        %add3A_240 = arith.constant 2 : i32
        %add3A_241 = arith.addi %select_n3A_145, %add3A_240 : i32
        %lt3A_242 = arith.cmpi slt, %add3A_241, %select_n3A_34 : i32
        %and3A_243 = arith.andi %eq3A_239, %lt3A_242 : i1
        %convert_element_type3A_244 = arith.extui %and3A_243 : i1 to i32
        %cond3A_245 = arith.constant 0 : i32
        %cond3A_246 = arith.cmpi ne, %convert_element_type3A_244, %cond3A_245 : i32
        scf.if %cond3A_246 {
          %add3A_247 = arith.constant 2 : i32
          %add3A_248 = arith.addi %select_n3A_145, %add3A_247 : i32
          %mul3A_249 = arith.constant 8 : i32
          %mul3A_250 = arith.muli %add3A_248, %mul3A_249 : i32
          %add3A_251 = arith.addi %select_n3A, %mul3A_250 : i32
          %jit3A_252 = arith.constant 2 : i32
          %eq3A_253 = arith.constant 0 : i32
          %eq3A_254 = arith.cmpi eq, %jit3A_252, %eq3A_253 : i32
          %jit3A_255 = arith.constant 1 : i32
          %select_n3A_256 = arith.select %eq3A_254, %jit3A_255, %jit3A_252 : i32
          %rem3A_257 = arith.remsi %select_n3A_145, %select_n3A_256 : i32
          %ne3A_258 = arith.constant 0 : i32
          %ne3A_259 = arith.cmpi ne, %rem3A_257, %ne3A_258 : i32
          %lt3A_260 = arith.constant 0 : i32
          %lt3A_261 = arith.cmpi slt, %rem3A_257, %lt3A_260 : i32
          %lt3A_262 = arith.constant 0 : i32
          %lt3A_263 = arith.cmpi slt, %select_n3A_256, %lt3A_262 : i32
          %ne3A_264 = arith.xori %lt3A_261, %lt3A_263 : i1
          %and3A_265 = arith.andi %ne3A_264, %ne3A_259 : i1
          %add3A_266 = arith.addi %rem3A_257, %select_n3A_256 : i32
          %select_n3A_267 = arith.select %and3A_265, %add3A_266, %rem3A_257 : i32
          %dma_start3A_268 = arith.constant 0 : i32
          %dma_start3A_269 = arith.constant 0 : i32
          %dma_start3A_270 = tpu.memref_slice %arg7[%select_n3A_267, %dma_start3A_268, %dma_start3A_269] : memref<2x8x128xi32, #tpu.memory_space<vmem>> -> memref<1x8x128xi32, #tpu.memory_space<vmem>>
          %dma_start3A_271 = tpu.memref_squeeze %dma_start3A_270 : memref<1x8x128xi32, #tpu.memory_space<vmem>> -> memref<8x128xi32, #tpu.memory_space<vmem>>
          %dma_start3A_272 = arith.constant 0 : i32
          %dma_start3A_273 = tpu.memref_slice %arg4[%add3A_251, %dma_start3A_272] : memref<2560x128xi32, #tpu.memory_space<hbm>> -> memref<8x128xi32, #tpu.memory_space<hbm>>
          %dma_start3A_274 = arith.constant 0 : i32
          %dma_start3A_275 = arith.constant 0 : i32
          %dma_start3A_276 = tpu.memref_slice %arg7[%select_n3A_267, %dma_start3A_274, %dma_start3A_275] : memref<2x8x128xi32, #tpu.memory_space<vmem>> -> memref<1x8x128xi32, #tpu.memory_space<vmem>>
          %dma_start3A_277 = tpu.memref_squeeze %dma_start3A_276 : memref<1x8x128xi32, #tpu.memory_space<vmem>> -> memref<8x128xi32, #tpu.memory_space<vmem>>
          %dma_start3A_278 = arith.constant 0 : i32
          %dma_start3A_279 = tpu.memref_slice %arg4[%add3A_251, %dma_start3A_278] : memref<2560x128xi32, #tpu.memory_space<hbm>> -> memref<8x128xi32, #tpu.memory_space<hbm>>
          tpu.enqueue_dma source(%dma_start3A_279 : memref<8x128xi32, #tpu.memory_space<hbm>>) target(%dma_start3A_277 : memref<8x128xi32, #tpu.memory_space<vmem>>) target_semaphore(%arg12 : memref<!tpu.dma_semaphore, #tpu.memory_space<semaphore_mem>>)
          %jit3A_280 = arith.constant 2 : i32
          %eq3A_281 = arith.constant 0 : i32
          %eq3A_282 = arith.cmpi eq, %jit3A_280, %eq3A_281 : i32
          %jit3A_283 = arith.constant 1 : i32
          %select_n3A_284 = arith.select %eq3A_282, %jit3A_283, %jit3A_280 : i32
          %rem3A_285 = arith.remsi %select_n3A_145, %select_n3A_284 : i32
          %ne3A_286 = arith.constant 0 : i32
          %ne3A_287 = arith.cmpi ne, %rem3A_285, %ne3A_286 : i32
          %lt3A_288 = arith.constant 0 : i32
          %lt3A_289 = arith.cmpi slt, %rem3A_285, %lt3A_288 : i32
          %lt3A_290 = arith.constant 0 : i32
          %lt3A_291 = arith.cmpi slt, %select_n3A_284, %lt3A_290 : i32
          %ne3A_292 = arith.xori %lt3A_289, %lt3A_291 : i1
          %and3A_293 = arith.andi %ne3A_292, %ne3A_287 : i1
          %add3A_294 = arith.addi %rem3A_285, %select_n3A_284 : i32
          %select_n3A_295 = arith.select %and3A_293, %add3A_294, %rem3A_285 : i32
          %dma_start3A_296 = arith.constant 0 : i32
          %dma_start3A_297 = arith.constant 0 : i32
          %dma_start3A_298 = tpu.memref_slice %arg8[%select_n3A_295, %dma_start3A_296, %dma_start3A_297] : memref<2x8x128xi32, #tpu.memory_space<vmem>> -> memref<1x8x128xi32, #tpu.memory_space<vmem>>
          %dma_start3A_299 = tpu.memref_squeeze %dma_start3A_298 : memref<1x8x128xi32, #tpu.memory_space<vmem>> -> memref<8x128xi32, #tpu.memory_space<vmem>>
          %dma_start3A_300 = arith.constant 0 : i32
          %dma_start3A_301 = tpu.memref_slice %arg5[%add3A_251, %dma_start3A_300] : memref<2560x128xi32, #tpu.memory_space<hbm>> -> memref<8x128xi32, #tpu.memory_space<hbm>>
          %dma_start3A_302 = arith.constant 0 : i32
          %dma_start3A_303 = arith.constant 0 : i32
          %dma_start3A_304 = tpu.memref_slice %arg8[%select_n3A_295, %dma_start3A_302, %dma_start3A_303] : memref<2x8x128xi32, #tpu.memory_space<vmem>> -> memref<1x8x128xi32, #tpu.memory_space<vmem>>
          %dma_start3A_305 = tpu.memref_squeeze %dma_start3A_304 : memref<1x8x128xi32, #tpu.memory_space<vmem>> -> memref<8x128xi32, #tpu.memory_space<vmem>>
          %dma_start3A_306 = arith.constant 0 : i32
          %dma_start3A_307 = tpu.memref_slice %arg5[%add3A_251, %dma_start3A_306] : memref<2560x128xi32, #tpu.memory_space<hbm>> -> memref<8x128xi32, #tpu.memory_space<hbm>>
          tpu.enqueue_dma source(%dma_start3A_307 : memref<8x128xi32, #tpu.memory_space<hbm>>) target(%dma_start3A_305 : memref<8x128xi32, #tpu.memory_space<vmem>>) target_semaphore(%arg13 : memref<!tpu.dma_semaphore, #tpu.memory_space<semaphore_mem>>)
        } else {
        }
      }
    } else {
    }
    %barrier3A_13 = arith.constant 0 : index
    tpu.barrier barrier_id(%barrier3A_13)
    %mul3A_14 = arith.constant 10240 : i32
    %mul3A_15 = arith.muli %arg0, %mul3A_14 : i32
    %add3A_16 = arith.addi %mul3A_15, %mul3A_0 : i32
    "tpu.region"() ({
      %run_scoped3A = tpu.sem_alloc : memref<!tpu.dma_semaphore, #tpu.memory_space<semaphore_mem>>
      %dma_start3A = arith.constant 0 : i32
      %dma_start3A_17 = tpu.memref_slice %arg6[%add3A_16, %dma_start3A] : memref<20480x128xf32, #tpu.memory_space<hbm>> -> memref<640x128xf32, #tpu.memory_space<hbm>>
      %dma_start3A_18 = arith.constant 0 : i32
      %dma_start3A_19 = tpu.memref_slice %arg10[%mul3A_0, %dma_start3A_18] : memref<10240x128xf32, #tpu.memory_space<vmem_shared>> -> memref<640x128xf32, #tpu.memory_space<vmem_shared>>
      tpu.enqueue_dma source(%dma_start3A_19 : memref<640x128xf32, #tpu.memory_space<vmem_shared>>) target(%dma_start3A_17 : memref<640x128xf32, #tpu.memory_space<hbm>>) target_semaphore(%run_scoped3A : memref<!tpu.dma_semaphore, #tpu.memory_space<semaphore_mem>>)
      %dma_wait3A = arith.constant 0 : i32
      %dma_wait3A_20 = tpu.memref_slice %arg6[%add3A_16, %dma_wait3A] : memref<20480x128xf32, #tpu.memory_space<hbm>> -> memref<640x128xf32, #tpu.memory_space<hbm>>
      %dma_wait3A_21 = arith.constant 0 : i32
      %dma_wait3A_22 = tpu.memref_slice %arg10[%mul3A_0, %dma_wait3A_21] : memref<10240x128xf32, #tpu.memory_space<vmem_shared>> -> memref<640x128xf32, #tpu.memory_space<vmem_shared>>
      tpu.wait_dma2 semaphore(%run_scoped3A : memref<!tpu.dma_semaphore, #tpu.memory_space<semaphore_mem>>) src(%dma_wait3A_22 : memref<640x128xf32, #tpu.memory_space<vmem_shared>>) dst(%dma_wait3A_20 : memref<640x128xf32, #tpu.memory_space<hbm>>)
      tpu.yield
    }) : () -> ()
    return
  }
}

module attributes {stable_mosaic.version = 14 : i64} {
  func.func @_mm_body(%arg0: i32, %arg1: memref<2x1000x128xf32, #tpu.memory_space<vmem>>, %arg2: memref<128x128xf32, #tpu.memory_space<vmem>>, %arg3: memref<1000x128xf32, #tpu.memory_space<vmem>>) attributes {dimension_semantics = [#tpu.dimension_semantics<arbitrary>], iteration_bounds = array<i64: 10>, scalar_prefetch = 0 : i64, scratch_operands = 0 : i64, tpu.core_type = #tpu.core_type<tc>, window_params = [{transform_indices = @transform_0, window_bounds = array<i64: 2, 1000, 128>}, {pipeline_mode = #tpu.pipeline_mode<synchronous>, transform_indices = @transform_1, window_bounds = array<i64: 128, 128>}, {transform_indices = @transform_2, window_bounds = array<i64: 1000, 128>}]} {
    %get3A = arith.constant 0 : index
    %get3A_0 = arith.constant 0 : index
    %get3A_1 = arith.constant 0 : index
    %get3A_2 = vector.load %arg1[%get3A, %get3A_0, %get3A_1] : memref<2x1000x128xf32, #tpu.memory_space<vmem>>, vector<1x1000x128xf32>
    %get3A_3 = vector.shape_cast %get3A_2 : vector<1x1000x128xf32> to vector<1000x128xf32>
    %get3A_4 = arith.constant 1 : index
    %get3A_5 = arith.constant 0 : index
    %get3A_6 = arith.constant 0 : index
    %get3A_7 = vector.load %arg1[%get3A_4, %get3A_5, %get3A_6] : memref<2x1000x128xf32, #tpu.memory_space<vmem>>, vector<1x1000x128xf32>
    %get3A_8 = vector.shape_cast %get3A_7 : vector<1x1000x128xf32> to vector<1000x128xf32>
    %add3A = arith.addf %get3A_3, %get3A_8 : vector<1000x128xf32>
    %get3A_9 = arith.constant 0 : index
    %get3A_10 = arith.constant 0 : index
    %get3A_11 = vector.load %arg2[%get3A_9, %get3A_10] : memref<128x128xf32, #tpu.memory_space<vmem>>, vector<128x128xf32>
    %dot_general3A = arith.constant dense<0.000000e+00> : vector<1000x128xf32>
    %dot_general3A_12 = tpu.matmul %add3A, %get3A_11, %dot_general3A {dimension_numbers = #tpu.dot_dimension_numbers<[1], [0], [0], [1], [0, 0, 1, 1], [], []>, precision = #tpu.contract_precision<fp32>, transpose_lhs_hint = false} : vector<1000x128xf32>, vector<128x128xf32>, vector<1000x128xf32> -> vector<1000x128xf32>
    %swap3A = arith.constant 0 : index
    %swap3A_13 = arith.constant 0 : index
    %swap3A_14 = vector.load %arg3[%swap3A, %swap3A_13] : memref<1000x128xf32, #tpu.memory_space<vmem>>, vector<1000x128xf32>
    tpu.vector_store %arg3[%swap3A, %swap3A_13], %dot_general3A_12 {strides = array<i32>} : memref<1000x128xf32, #tpu.memory_space<vmem>>, vector<1000x128xf32>,
    return
  }
  func.func @transform_0(%arg0: i32) -> (i32, i32, i32) {
    %c0_i32 = arith.constant 0 : i32
    %c0_i32_0 = arith.constant 0 : i32
    %c0_i32_1 = arith.constant 0 : i32
    return %c0_i32, %arg0, %c0_i32_0 : i32, i32, i32
  }
  func.func @transform_1(%arg0: i32) -> (i32, i32) {
    %c0_i32 = arith.constant 0 : i32
    %c0_i32_0 = arith.constant 0 : i32
    %c0_i32_1 = arith.constant 0 : i32
    return %c0_i32, %c0_i32_0 : i32, i32
  }
  func.func @transform_2(%arg0: i32) -> (i32, i32) {
    %c0_i32 = arith.constant 0 : i32
    %c0_i32_0 = arith.constant 0 : i32
    return %arg0, %c0_i32 : i32, i32
  }
}

</mosaic_0001>

<sc_bundles>
// kernel: kernel.4.cloned.1.call-start
scs
__scs_entry_jumppad:
0x0: {  	(pc) =	sbr.rel $0x88, $3  }
0x1: {  	(tag) =	ssettag $0x0;
	lr =	simm.s32 $0x1  }
0x2: {  	[smem:$0x3F9E] =	sst lr;
	_ =	strace $0xD0000000  }
0x3: {  	_ = 	snop  }
0x4: {  	_ = 	snop  }
0x5: {  	_ = 	snop  }
0x6: {  	_ = 	snop  }
0x7: {  	_ = 	snop  }
__scs_overlays_trampoline_lowered:
0x8: {  	[smem:$0x3FAD] =	sst s0  }
0x9: {  	[smem:$0x3FAE] =	sst s1  }
0xa: {  	[smem:$0x3FAF] =	sst s2  }
0xb: {  	[smem:$0x3FB0] =	sst s3  }
0xc: {  	[smem:$0x3FB1] =	sst s4  }
0xd: {  	[smem:$0x3FB2] =	sst s5  }
0xe: {  	[smem:$0x3FB3] =	sst s6  }
0xf: {  	[smem:$0x3FB4] =	sst s7  }
0x10: {  	[smem:$0x3FB5] =	sst s8  }
0x11: {  	[smem:$0x3FB6] =	sst s9;
	s0 =	simm.s32 @!p0 $0x0  }
0x12: {  	s1 =	sld [smem:$0x3F9C];
	s0 =	simm.s32 @p0 $0x1  }
0x13: {  	[smem:$0x3FB7] =	sst s0;
	s0 =	simm.s32 @!p1 $0x0  }
0x14: {  	s2 =	sld [smem:$0x3F9B];
	s0 =	simm.s32 @p1 $0x1  }
0x15: {  	[smem:$0x3FB8] =	sst s0;
	s0 =	simm.s32 @!p2 $0x0  }
0x16: {  	s3 =	sld [smem:$0x3FDB];
	s0 =	simm.s32 @p2 $0x1  }
0x17: {  	s4 =	simm.s32 $0x1BF5;
	[smem:$0x3FBA] =	sst s0  }
0x18: {  	s0 =	sld [smem:$0x3F9D];
	_ =	swait.ge [sflag:s4], $0x0  }
0x19: {  	s7 =	sld [smem:$0x3F9E]  }
0x1a: {  	s8 =	sadd.s32 $0xFFFFE003, lr  }
0x1b: {  	s9 =	sadd.s32 $0xFFFFFEF7, lr;
	s5 =	simm.s32 $0xFFFFFFFF;
	p2 =	slt.u32 s8, $0xFFFFF086  }
0x1c: {  	p1 =	slt.u32 s9, $0xF7A;
	s5 =	simm.s32 @!p2 $0x0  }
0x1d: {  	s5 =	simm.s32 @p1 $0x1;
	p0 =	seq.s32 s7, s2  }
0x1e: {  	s7 =	smul.u32 @!p0 $0xF7A, s2;
	p2 =	seq.s32 @!p0 s5, $0x0  }
0x1f: {  	s9 =	smul.u32 $0xF7A, s1;
	s8 =	simm.s32 @!p0 $0x1BF5;
	p2 =	por !p2, p0  }
0x20: {  	[sflag:s8] =	ssyncset.s32 @!p0 $0xFFFFF086;
	s6 =	sadd.s32 @!p0 s3, s7;
	s7 =	simm.s32 @!p0 $0x108  }
0x21: {  	s3 =	sadd.s32 s3, s9;
	s6 =	sadd.s32 @!p0 $0x88, s6;
	s7 =	simm.s32 @p2 $0x1082  }
0x22: {  	[simem:s7], [sflag:s8] =	dma.local @!p0 [hbm:s6], $0xF7A  }
0x23: {  	s9 =	sor.u32 $0xD0000000, s2;
	s6 =	simm.s32 $0x108;
	_ =	swait.ge @!p0 [sflag:s8], $0x0  }
0x24: {  	s3 =	sadd.s32 $0x88, s3;
	s6 =	simm.s32 @!p1 $0x1082;
	[sflag:s4] =	ssyncset.s32 $0xFFFFF086  }
0x25: {  	[simem:s6], [sflag:s4] =	dma.local [hbm:s3], $0xF7A  }
0x26: {  	[smem:$0x3F9E] =	sst s1;
	(tag) =	ssettag s2;
	_ =	strace s9  }
0x27: {  	s1 =	sld [smem:$0x3FAE]  }
0x28: {  	s2 =	sld [smem:$0x3FAF]  }
0x29: {  	s4 =	sld [smem:$0x3FB1]  }
0x2a: {  	p0 =	seq.s32 s5, $0x0;
	s5 =	sld [smem:$0x3FB2]  }
0x2b: {  	s6 =	sld [smem:$0x3FB3]  }
0x2c: {  	s7 =	sld [smem:$0x3FB4]  }
0x2d: {  	s3 =	simm.s32 $0x108;
	s8 =	sld [smem:$0x3FB5]  }
0x2e: {  	s3 =	simm.s32 @!p0 $0x1082;
	s9 =	sld [smem:$0x3FB6]  }
0x2f: {  	lr =	sadd.s32 s0, s3;
	s0 =	sld [smem:$0x3FAD]  }
0x30: {  	s3 =	sld [smem:$0x3FB0]  }
0x31: {  	[smem:$0x3FB9] =	sst s10  }
0x32: {  	s10 =	sld [smem:$0x3FB7];
	_ =	sdelay $0x3  }
0x33: {  	p0 =	seq.s32 s10, $0x1;
	s10 =	sld [smem:$0x3FB9];
	_ =	sdelay $0x3  }
0x34: {  	[smem:$0x3FB9] =	sst s10  }
0x35: {  	s10 =	sld [smem:$0x3FB8];
	_ =	sdelay $0x3  }
0x36: {  	p1 =	seq.s32 s10, $0x1;
	s10 =	sld [smem:$0x3FB9];
	_ =	sdelay $0x3  }
0x37: {  	[smem:$0x3FB9] =	sst s10  }
0x38: {  	s10 =	sld [smem:$0x3FBA]  }
0x39: {  	_ = 	snop;
	(pc) =	sbr.ind lr, $3  }
0x3a: {  	_ = 	snop  }
0x3b: {  	_ = 	snop  }
0x3c: {  	p2 =	seq.s32 s10, $0x1;
	s10 =	sld [smem:$0x3FB9]  }
0x3d: {  	_ =	shalt  }
0x3e: {  	_ =	shalt  }
0x3f: {  	_ =	shalt  }
0x40: {  	_ =	shalt  }
0x41: {  	_ =	shalt  }
0x42: {  	_ =	shalt  }
0x43: {  	_ =	shalt  }
0x44: {  	_ =	shalt  }
0x45: {  	_ =	shalt  }
0x46: {  	_ =	shalt  }
0x47: {  	_ =	shalt  }
0x48: {  	_ =	shalt  }
0x49: {  	_ =	shalt  }
0x4a: {  	_ =	shalt  }
0x4b: {  	_ =	shalt  }
0x4c: {  	_ =	shalt  }
0x4d: {  	_ =	shalt  }
0x4e: {  	_ =	shalt  }
0x4f: {  	_ =	shalt  }
0x50: {  	_ =	shalt  }
0x51: {  	_ =	shalt  }
0x52: {  	_ =	shalt  }
0x53: {  	_ =	shalt  }
0x54: {  	_ =	shalt  }
0x55: {  	_ =	shalt  }
0x56: {  	_ =	shalt  }
0x57: {  	_ =	shalt  }
0x58: {  	_ =	shalt  }
0x59: {  	_ =	shalt  }
0x5a: {  	_ =	shalt  }
0x5b: {  	_ =	shalt  }
0x5c: {  	_ =	shalt  }
0x5d: {  	_ =	shalt  }
0x5e: {  	_ =	shalt  }
0x5f: {  	_ =	shalt  }
0x60: {  	_ =	shalt  }
0x61: {  	_ =	shalt  }
0x62: {  	_ =	shalt  }
0x63: {  	_ =	shalt  }
0x64: {  	_ =	shalt  }
0x65: {  	_ =	shalt  }
0x66: {  	_ =	shalt  }
0x67: {  	_ =	shalt  }
0x68: {  	_ =	shalt  }
0x69: {  	_ =	shalt  }
0x6a: {  	_ =	shalt  }
0x6b: {  	_ =	shalt  }
0x6c: {  	_ =	shalt  }
0x6d: {  	_ =	shalt  }
0x6e: {  	_ =	shalt  }
0x6f: {  	_ =	shalt  }
0x70: {  	_ =	shalt  }
0x71: {  	_ =	shalt  }
0x72: {  	_ =	shalt  }
0x73: {  	_ =	shalt  }
0x74: {  	_ =	shalt  }
0x75: {  	_ =	shalt  }
0x76: {  	_ =	shalt  }
0x77: {  	_ =	shalt  }
0x78: {  	_ =	shalt  }
0x79: {  	_ =	shalt  }
0x7a: {  	_ =	shalt  }
0x7b: {  	_ =	shalt  }
0x7c: {  	_ =	shalt  }
0x7d: {  	_ =	shalt  }
0x7e: {  	_ =	shalt  }
0x7f: {  	_ =	shalt  }
0x80: {  	_ =	shalt  }
0x81: {  	_ =	shalt  }
0x82: {  	_ =	shalt  }
0x83: {  	_ =	shalt  }
0x84: {  	_ =	shalt  }
0x85: {  	_ =	shalt  }
0x86: {  	_ =	shalt  }
0x87: {  	_ =	shalt  }
.Lfunc_end0:
.L_simem_size_0:
called_computation_lowered:
.L_overlay_start_0:
0x88: {  	s2 =	sld [smem:$0x3FD9]  }
0x89: {  	s3 =	sld [smem:$0x3FFE];
	_ =	sdelay $0x1  }
0x8a: {  	s1 =	srdreg.scid  }
0x8b: {  	s0 =	sand.u32 $0x1, s1  }
0x8c: {  	s17 =	sshll.u32 s0, $0xA;
	s2 =	sadd.s32 s3, s2  }
0x8d: {  	s2 =	sadd.s32 s2, s17  }
0x8e: {  	[smem:$0x3FC5] =	sst s2  }
0x8f: {  	_ = 	snop  }
0x90: {  	s2 =	sld [smem:$0x3FC9]  }
0x91: {  	s18 =	sld [smem:$0x3FD0];
	(tm) =	ssettm $0x1  }
0x92: {  	s4 =	sld [smem:$0x3FFB];
	_ =	sdelay $0x3  }
0x93: {  	_ =	strace s4  }
0x94: {  	s4 =	sld [smem:$0x3FFC];
	_ =	sdelay $0x3  }
0x95: {  	_ =	strace s4  }
0x96: {  	s4 =	sld [smem:$0x3FFD];
	_ =	sdelay $0x3  }
0x97: {  	_ =	strace s4  }
0x98: {  	_ =	strace $0x8FFFFFFF  }
0x99: {  	s19 =	sld [smem:$0x3FDB];
	_ =	sdelay $0x1  }
0x9a: {  	s5 =	simm.s32 $_scs_section_size  }
0x9b: {  	s6 =	simm.s32 $_size__tile_overlayer_lowered;
	s7 =	simm.s32 $_tile_overlayer_lowered  }
0x9c: {  	s22 =	simm.s32 $0x1BFF;
	s21 =	sshll.u32 s7, $0x1;
	s4 =	sadd.s32 s5, s19  }
0x9d: {  	s8 =	simm.s32 $0x0;
	s20 =	sshll.u32 s6, $0x1;
	s6 =	sadd.s32 s21, s4  }
0x9e: {  	[timem:s8], [sflag:s22] =	dma.local [hbm:s6], s20  }
0x9f: {  	_ =	swait.ge [sflag:s22], s20  }
0xa0: {  	s5 =	ssub.s32 $0x0, s20;
	[sflag:s22] =	ssyncset.done $0x0  }
0xa1: {  	[sflag:s22] =	ssyncadd.s32 s5;
	_ =	sdelay $0x1  }
0xa2: {  	s23 =	simm.s32 $0x1B8B  }
0xa3: {  	_ =	swait.ge [sflag:s23], $0x1  }
0xa4: {  	[sflag:s23] =	ssyncset.done $0x0  }
0xa5: {  	s25 =	simm.s32 $0x1B8E;
	s24 =	sld [smem:$0x3FFE];
	[sflag:s23] =	ssyncadd.s32 $0xFFFFFFFF  }
0xa6: {  	s26 =	simm.s32 $execute0_lowered;
	[smem:$0x3FD2] =	sst s25  }
0xa7: {  	s6 =	sshll.u32 s26, $0x1;
	_ =	strace $0x80000046;
	[dreg:$0x1] =	wrdreg $0xFFFFFFFF  }
0xa8: {  	s28 =	simm.s32 $_size_execute0_lowered;
	s4 =	sadd.s32 s4, s6;
	[dreg:$0x0] =	wrdreg $0x0  }
0xa9: {  	s6 =	sshll.u32 s28, $0x1;
	[dreg:$0x2] =	wrdreg s4  }
0xaa: {  	[dreg:$0x3] =	wrdreg s6  }
0xab: {  	[dreg:$0x4] =	wrdreg $0xC0  }
0xac: {  	_ =	task [dreg:s8], $0x5FFFF  }
0xad: {  	[dreg:$0x1] =	wrdreg $0xFFFFFFFF  }
0xae: {  	[dreg:$0x0] =	wrdreg $0x60  }
0xaf: {  	[dreg:$0x2] =	wrdreg s2  }
0xb0: {  	[dreg:$0x3] =	wrdreg s24  }
0xb1: {  	[dreg:$0x4] =	wrdreg s18  }
0xb2: {  	[dreg:$0x5] =	wrdreg $0x90000  }
0xb3: {  	[dreg:$0x6] =	wrdreg $0x9  }
0xb4: {  	_ =	task.clear_ibuf [dreg:s8], $0x7FFFF;
	_ =	strace $0x90000046  }
0xb5: {  	s29 =	simm.s32 $0x9;
	_ =	strace $0x80000048  }
0xb6: {  	_ =	swait.ge [sflag:s29], $0x1  }
0xb7: {  	[sflag:s29] =	ssyncadd.s32 $0xFFFFFFFF  }
0xb8: {  	_ =	strace $0x90000048  }
0xb9: {  	_ =	sfence  }
0xba: {  	s30 =	sld [smem:$0x0];
	_ =	sdelay $0x2  }
0xbb: {  	s31 =	sshll.u32 s1, $0xD;
	s1 =	sshrl.u32 s1, $0x2  }
0xbc: {  	s3 =	sand.u32 $0x4000, s31;
	s1 =	sadd.s32 s1, s30  }
0xbd: {  	s0 =	sor.u32 s3, s0;
	s1 =	sshll.u32 s1, $0x11  }
0xbe: {  	s0 =	sor.u32 s1, s0  }
0xbf: {  	s0 =	sadd.s32 $0x8F2B, s0  }
0xc0: {  	[sflag:s0] =	ssyncadd.remote.s32 $0x1  }
0xc1: {  	_ =	sfence.sel $0xFFFF  }
0xc2: {  	[dreg:$0x0] =	wrdreg $0xFFFFFFFF;
	(pc) =	sbr.abs _section_cstart, $3  }
0xc3: {  	[dreg:$0x1] =	wrdreg $0xFFFFFFFF  }
0xc4: {  	_ =	task.clear_ibuf [dreg:s8], $0x2FFFF;
	_ =	strace $0x9FFFFFFF  }
0xc5: {  	(tm) =	ssettm $0x7FFFFFFF  }
tec
execute0_lowered:
.L_overlay_start_1:
0x0: {  	(tag) =	ssettag $0x1  }
0x1: {  	s1 =	rddreg [dreg:$0x0]  }
0x2: {  	s0 =	rddreg [dreg:$0x1]  }
0x3: {  	s3 =	rddreg [dreg:$0x2]  }
0x4: {  	s4 =	rddreg [dreg:$0x3]  }
0x5: {  	s2 =	srdreg.scid;
	s12 =	stileid.u32;
	s5 =	simm.s32 $0x0  }
0x6: {  	s18 =	simm.s32 $0x5;
	s22 =	simm.s32 $0x80;
	s7 =	smul.u32 $0x2800, s12  }
0x7: {  	s25 =	simm.s32 $0x0;
	s2 =	sand.u32 $0x1, s2;
	s9 =	smul.u32 $0x50000, s12  }
0x8: {  	[smem:$0x7FF] =	sst s5;
	s6 =	sadd.s32 $0xA200, s0;
	s11 =	smul.u32 $0x28, s12  }
0x9: {  	s29 =	sshll.u32 s12, $0x6;
	s8 =	smul.u32 $0x28000, s2;
	s28 =	ssub.s32 $0x2, s2  }
0xa: {  	_ =	strace $0x80000047;
	p0 =	seq.s32 s2, $0x0;
	s10 =	sshrl.u32 s28, $0x1  }
0xb: {  	s9 =	sshrl.u32 s9, $0x2;
	s2 =	sadd.s32 $0x780, s11;
	s8 =	sadd.s32 s7, s8  }
0xc: {  	s7 =	sadd.s32 $0x200, s0;
	s17 =	sadd.s32 s9, s4;
	s9 =	smul.u32 $0x78, s12  }
0xd: {  	s16 =	ssub.s32 s28, s10;
	s0 =	sadd.s32 s8, s0;
	s8 =	simm.s32 $0x78  }
0xe: {  	s16 =	smax.u32 s16, $0x1;
	s17 =	sshrl.u32 s17, $0x3;
	s2 =	smov.u32 @p0 s9  }
0xf: {  	s8 =	simm.s32 @!p0 $0x28;
	s9 =	sor.u32 $0x1C05, s29;
	s15 =	sadd.s32 $0xCA00, s0  }
0x10: {  	s30 =	sshrl.u32 s8, $0x3;
	s31 =	sshll.u32 s2, $0x4;
	s14 =	sshrl.u32 s2, $0x3  }
0x11: {  	[dreg:$0x5] =	wrdreg s30;
	s10 =	sadd.s32 s7, s31;
	s13 =	sadd.s32 $0x80, s31  }
0x12: {  	s11 =	sadd.s32 s3, s31;
	s12 =	sadd.s32 s7, s13;
	s13 =	sadd.s32 s3, s13  }
.LBB2_1:
0x13: {  	[spmem:s17], [sflag:s9] =	dma.local [hbm:s6], $0x2800  }
0x14: {  	_ =	swait.ge [sflag:s18], $0x2800  }
0x15: {  	[sflag:s18] =	ssyncset.done $0x0  }
0x16: {  	[sflag:s18] =	ssyncadd.s32 $0xFFFFD800  }
0x17: {  	[bflag:$0x0] =	sbarrier.arrive $0xFFFF  }
0x18: {  	[tilespmem:s5], [sflag:$0x5] =	stream.linear.gather [hbm4b:s10+s5], $0x400, $0x38;
	[tilespmem:$0x1D000] =	vst v63  }
0x19: {  	_ =	swait.ge [sflag:s18], $0x400  }
0x1a: {  	[sflag:s18] =	ssyncset.done $0x0  }
0x1b: {  	s0 =	simm.s32 $0x800;
	[sflag:s18] =	ssyncadd.s32 $0xFFFFFC00  }
0x1c: {  	[tilespmem:s0], [sflag:$0x5] =	stream.linear.gather [hbm4b:s11+s5], $0x400, $0x38;
	[tilespmem:$0x1D000] =	vst v63  }
0x1d: {  	_ =	swait.ge [sflag:s18], $0x400  }
0x1e: {  	[sflag:s18] =	ssyncset.done $0x0  }
0x1f: {  	s21 =	simm.s32 $0x400;
	[sflag:s18] =	ssyncadd.s32 $0xFFFFFC00  }
0x20: {  	[tilespmem:s21], [sflag:$0x3] =	stream.linear.gather [hbm4b:s12+s5], $0x400, $0x38;
	[tilespmem:$0x1D000] =	vst v63  }
0x21: {  	s23 =	simm.s32 $0xC00;
	p1 =	sne.s32 s8, $0x1  }
0x22: {  	[tilespmem:s23], [sflag:$0x4] =	stream.linear.gather [hbm4b:s13+s5], $0x400, $0x38;
	[tilespmem:$0x1D000] =	vst v63  }
.Ltmp0:
0x23: {  	s24 =	simm.s32 $0x1000;
	(pc) =	sbr.rel @!p1 .LBB2_6-.Ltmp0, $4  }
0x24: {  	[tilespmem:s24], [sflag:$0x1] =	stream.indirect.gather [hbm4b:s1+s22], $0x80, s5, s22, $0xb8;
	[tilespmem:$0x1D000] =	vst v63  }
0x25: {  	s26 =	simm.s32 $0x5000;
	s30 =	simm.s32 $0x1;
	p0 =	por $0x0, $0x0  }
0x26: {  	[tilespmem:s26], [sflag:$0x2] =	stream.indirect.gather [hbm4b:s1+s22], $0x80, s22, s22, $0xb8;
	[tilespmem:$0x1D000] =	vst v63  }
0x27: {  	s28 =	simm.s32 $0x100;
	s0 =	simm.s32 $0x0;
	s26 =	simm.s32 $0x100  }
0x28: {  	s0 =	sand.u32 $0x1, s5;
	s2 =	sand.u32 $0x7, s5  }
0x29: {  	s29 =	simm.s32 $0x0;
	s28 =	sshll.u32 s0, $0xE;
	s0 =	sadd.s32 $0x1, s0  }
0x2a: {  	s31 =	sand.u32 $0x400, s29;
	s19 =	sshll.u32 s2, $0x7;
	_ =	swait.ge [sflag:s0], $0x4000  }
0x2b: {  	p0 =	sne.s32 s2, $0x6;
	s29 =	sor.u32 $0x800, s31;
	[sflag:s0] =	ssyncset.done $0x0  }
0x2c: {  	s28 =	sor.u32 $0x1000, s28;
	s19 =	sor.u32 s19, s29;
	[sflag:s0] =	ssyncadd.s32 $0xFFFFC000  }
0x2d: {  	[spmem:s4] =	stream.indirect.scatter.add.f32 [tilespmem:s28], [sflag:$0x5], $0x80, s19, s22, $0xb8;
	[tilespmem:$0x1D000] =	vst v63  }
0x2e: {  	p1 =	sle.u32 @!p0 s8, $0x2;
	_ =	swait.ge [sflag:s18], $0x4000  }
0x2f: {  	p0 =	por p1, p0;
	[sflag:s18] =	ssyncset.done $0x0  }
0x30: {  	s19 =	simm.s32 @!p0 $0x3;
	[sflag:s18] =	ssyncadd.s32 $0xFFFFC000  }
0x31: {  	_ =	swait.ge @!p0 [sflag:s19], $0x400  }
0x32: {  	p2 =	sle.u32 s8, $0x2;
	[sflag:s19] =	ssyncset.done @!p0 $0x0  }
0x33: {  	p3 =	sne.s32 s8, $0x2;
	[sflag:s19] =	ssyncadd.s32 @!p0 $0xFFFFFC00;
	s19 =	simm.s32 @!p0 $0x4  }
0x34: {  	s20 =	simm.s32 @!p2 $0x80;
	p1 =	sne.s32 s2, $0x7;
	_ =	swait.ge @!p0 [sflag:s19], $0x400  }
.Ltmp1:
0x35: {  	[sflag:s19] =	ssyncset.done @!p0 $0x0;
	s2 =	rddreg [dreg:$0x5];
	(pc) =	sbr.rel @!p3 .LBB2_3-.Ltmp1, $4  }
0x36: {  	[sflag:s19] =	ssyncadd.s32 @!p0 $0xFFFFFC00;
	s19 =	sand.u32 @!p2 $0x780, s26;
	p0 =	sle.u32 @!p1 s2, $0x2  }
0x37: {  	[tilespmem:s28], [sflag:s0] =	stream.indirect.gather @!p2 [hbm4b:s1+s20], $0x80, s19, s20, $0xb8;
	[tilespmem:$0x1D000] =	vst v63  }
0x38: {  	s0 =	simm.s32 $0x2;
	p2 =	por p0, p1  }
0x39: {  	p0 =	por $0x1, $0x1;
	s28 =	simm.s32 $0x100;
	s2 =	sadd.s32 @!p2 $0x2, s14  }
.LBB2_4:
0x3a: {  	s19 =	sshll.u32 @!p2 s2, $0x7  }
0x3b: {  	s19 =	sand.u32 @!p2 $0x1FFFFF80, s19  }
0x3c: {  	s20 =	simm.s32 @!p2 $0x0;
	s23 =	sand.u32 $0x7, s30;
	s21 =	sadd.s32 @!p2 s7, s19  }
0x3d: {  	[tilespmem:s31], [sflag:$0x3] =	stream.linear.gather @!p2 [hbm4b:s21+s20], $0x400, $0x38;
	[tilespmem:$0x1D000] =	vst v63  }
0x3e: {  	s24 =	sadd.s32 $0x2, s30;
	s19 =	sadd.s32 @!p2 s3, s19;
	s21 =	sand.u32 $0x1, s30  }
0x3f: {  	[tilespmem:s29], [sflag:$0x4] =	stream.linear.gather @!p2 [hbm4b:s19+s20], $0x400, $0x38;
	[tilespmem:$0x1D000] =	vst v63  }
0x40: {  	s19 =	sshll.u32 s21, $0xE;
	s20 =	sadd.s32 $0x1, s21;
	s21 =	sshll.u32 s30, $0x7  }
0x41: {  	p2 =	sne.s32 s23, $0x6;
	_ =	swait.ge [sflag:s20], $0x4000;
	s31 =	sand.u32 $0x400, s21  }
0x42: {  	s21 =	sshll.u32 s23, $0x7;
	[sflag:s20] =	ssyncset.done $0x0;
	s29 =	sor.u32 $0x800, s31  }
0x43: {  	s19 =	sor.u32 $0x1000, s19;
	[sflag:s20] =	ssyncadd.s32 $0xFFFFC000;
	s21 =	sor.u32 s21, s29  }
0x44: {  	[spmem:s4] =	stream.indirect.scatter.add.f32 [tilespmem:s19], [sflag:$0x5], $0x80, s21, s22, $0xb8;
	[tilespmem:$0x1D000] =	vst v63  }
0x45: {  	p3 =	sge.u32 @!p2 s24, s8;
	_ =	swait.ge [sflag:s18], $0x4000  }
0x46: {  	s2 =	smov.u32 s0;
	p2 =	por p3, p2;
	[sflag:s18] =	ssyncset.done $0x0  }
0x47: {  	s0 =	sadd.s32 $0x1, s0;
	s21 =	simm.s32 @!p2 $0x3;
	[sflag:s18] =	ssyncadd.s32 $0xFFFFC000  }
0x48: {  	s28 =	sadd.s32 $0x80, s28;
	p1 =	sne.s32 s8, s0;
	_ =	swait.ge @!p2 [sflag:s21], $0x400  }
0x49: {  	p4 =	sge.u32 s24, s8;
	p3 =	sne.s32 s23, $0x7;
	[sflag:s21] =	ssyncset.done @!p2 $0x0  }
0x4a: {  	s23 =	sshrl.u32 s30, $0x3;
	[sflag:s21] =	ssyncadd.s32 @!p2 $0xFFFFFC00;
	s21 =	simm.s32 @!p2 $0x4  }
0x4b: {  	s30 =	simm.s32 @!p4 $0x80;
	s23 =	sadd.s32 $0x2, s23;
	_ =	swait.ge @!p2 [sflag:s21], $0x400  }
.Ltmp2:
0x4c: {  	[sflag:s21] =	ssyncset.done @!p2 $0x0;
	s24 =	rddreg [dreg:$0x5];
	(pc) =	sbr.rel @p1 .LBB2_4-.Ltmp2, $4  }
0x4d: {  	[sflag:s21] =	ssyncadd.s32 @!p2 $0xFFFFFC00;
	s21 =	sand.u32 @!p4 $0x780, s28;
	p2 =	sge.u32 @!p3 s23, s24  }
0x4e: {  	[tilespmem:s19], [sflag:s20] =	stream.indirect.gather @!p4 [hbm4b:s1+s30], $0x80, s21, s30, $0xb8;
	[tilespmem:$0x1D000] =	vst v63  }
0x4f: {  	p2 =	por p2, p3  }
0x50: {  	s30 =	smov.u32 s2;
	s2 =	sadd.s32 @!p2 s14, s23  }
0x51: {  	s0 =	smov.u32 s30  }
.LBB2_6:
0x52: {  	p1 =	por p2, !p0  }
0x53: {  	s2 =	sshll.u32 @!p1 s2, $0x7  }
0x54: {  	s2 =	sand.u32 @!p1 $0x1FFFFF80, s2  }
0x55: {  	s21 =	sand.u32 $0x7, s0;
	s19 =	simm.s32 @!p1 $0x0;
	s20 =	sadd.s32 @!p1 s7, s2  }
0x56: {  	[tilespmem:s31], [sflag:$0x3] =	stream.linear.gather @!p1 [hbm4b:s20+s19], $0x400, $0x38;
	[tilespmem:$0x1D000] =	vst v63  }
0x57: {  	s23 =	sadd.s32 $0x2, s0;
	s2 =	sadd.s32 @!p1 s3, s2;
	s31 =	sand.u32 $0x1, s0  }
0x58: {  	[tilespmem:s29], [sflag:$0x4] =	stream.linear.gather @!p1 [hbm4b:s2+s19], $0x400, $0x38;
	[tilespmem:$0x1D000] =	vst v63  }
0x59: {  	s30 =	sshll.u32 s21, $0x7;
	s19 =	sadd.s32 $0x1, s31;
	s29 =	sshll.u32 s0, $0x7  }
0x5a: {  	s24 =	sshll.u32 s31, $0xE;
	_ =	swait.ge [sflag:s19], $0x4000;
	s20 =	sand.u32 $0x400, s29  }
0x5b: {  	s2 =	sor.u32 $0x1000, s24;
	[sflag:s19] =	ssyncset.done $0x0;
	s24 =	sor.u32 $0x800, s20  }
0x5c: {  	p1 =	sne.s32 s21, $0x6;
	[sflag:s19] =	ssyncadd.s32 $0xFFFFC000;
	s29 =	sor.u32 s30, s24  }
0x5d: {  	[spmem:s4] =	stream.indirect.scatter.add.f32 [tilespmem:s2], [sflag:$0x5], $0x80, s29, s22, $0xb8;
	[tilespmem:$0x1D000] =	vst v63  }
0x5e: {  	p2 =	sge.u32 @!p1 s23, s8;
	_ =	swait.ge [sflag:s18], $0x4000  }
0x5f: {  	p1 =	por p2, p1;
	[sflag:s18] =	ssyncset.done $0x0  }
0x60: {  	s29 =	simm.s32 @!p1 $0x3;
	[sflag:s18] =	ssyncadd.s32 $0xFFFFC000  }
0x61: {  	s28 =	sadd.s32 @p0 $0x80, s28;
	_ =	swait.ge @!p1 [sflag:s29], $0x400  }
0x62: {  	p3 =	sge.u32 s23, s8;
	s26 =	smov.u32 @p0 s28;
	[sflag:s29] =	ssyncset.done @!p1 $0x0  }
0x63: {  	s31 =	sshrl.u32 s0, $0x3;
	[sflag:s29] =	ssyncadd.s32 @!p1 $0xFFFFFC00;
	s29 =	simm.s32 @!p1 $0x4  }
0x64: {  	s0 =	sadd.s32 $0x2, s31;
	s23 =	sand.u32 @!p3 $0x780, s26;
	_ =	swait.ge @!p1 [sflag:s29], $0x400  }
0x65: {  	p2 =	sne.s32 s21, $0x7;
	[sflag:s29] =	ssyncset.done @!p1 $0x0;
	s21 =	rddreg [dreg:$0x5]  }
0x66: {  	s26 =	simm.s32 @!p3 $0x80;
	[sflag:s29] =	ssyncadd.s32 @!p1 $0xFFFFFC00;
	p0 =	sge.u32 @!p2 s0, s21  }
0x67: {  	[tilespmem:s2], [sflag:s19] =	stream.indirect.gather @!p3 [hbm4b:s1+s26], $0x80, s23, s26, $0xb8;
	[tilespmem:$0x1D000] =	vst v63  }
0x68: {  	p0 =	por p0, p2  }
0x69: {  	s0 =	sadd.s32 @!p0 s14, s0  }
0x6a: {  	s0 =	sshll.u32 @!p0 s0, $0x7  }
0x6b: {  	s0 =	sand.u32 @!p0 $0x1FFFFF80, s0  }
0x6c: {  	s2 =	simm.s32 @!p0 $0x0;
	s19 =	sadd.s32 @!p0 s7, s0  }
0x6d: {  	[tilespmem:s20], [sflag:$0x3] =	stream.linear.gather @!p0 [hbm4b:s19+s2], $0x400, $0x38;
	[tilespmem:$0x1D000] =	vst v63  }
0x6e: {  	s25 =	sadd.s32 $0x1, s25;
	s0 =	sadd.s32 @!p0 s3, s0  }
0x6f: {  	[tilespmem:s24], [sflag:$0x4] =	stream.linear.gather @!p0 [hbm4b:s0+s2], $0x400, $0x38;
	[tilespmem:$0x1D000] =	vst v63  }
0x70: {  	p0 =	sne.s32 s25, s16;
	[bflag:$0x0] =	sbarrier.arrive $0xFFFF  }
0x71: {  	[hbm:s15], [sflag:s9] =	dma.local [spmem:s17], $0x2800  }
.Ltmp3:
0x72: {  	_ = 	snop;
	(pc) =	sbr.rel @p0 .LBB2_1-.Ltmp3, $4  }
.Ltmp4:
0x73: {  	_ = 	snop;
	(pc) =	sbr.rel @!p0 .LBB2_7-.Ltmp4, $4  }
0x74: {  	_ =	swait.ge [sflag:s18], $0x2800  }
0x75: {  	[sflag:s18] =	ssyncset.done $0x0  }
0x76: {  	[sflag:s18] =	ssyncadd.s32 $0xFFFFD800  }
0x77: {  	_ = 	snop  }
.LBB2_3:
.Ltmp5:
0x78: {  	(pc) =	sbr.rel .LBB2_6-.Ltmp5, $2  }
0x79: {  	_ =	sdelay $0x2  }
0x7a: {  	s28 =	simm.s32 $0x100;
	s0 =	simm.s32 $0x1  }
.LBB2_7:
0x7b: {  	_ =	sfence.sel $0x180000  }
0x7c: {  	[bflag:$0x0] =	sbarrier.arrive $0xFFFF  }
0x7d: {  	_ =	strace $0x90000047  }
0x7e: {  	s0 =	stileid.u32;
	[bflag:$0x2] =	sbarrier.arrive $0xFFFF  }
0x7f: {  	p0 =	sne.s32 s0, $0x0;
	s0 =	rddreg [dreg:$0x4]  }
0x80: {  	s0 =	sadd.s32 @!p0 $0x100000, s0  }
0x81: {  	[sflag:s0] =	ssyncadd.tile.s32 @!p0 $0x1;
	_ =	shalt  }
.Lfunc_end2:
_tile_overlayer_lowered:
.L_overlay_start_2:
0x82: {  	(tag) =	ssettag $0x2  }
0x83: {  	s0 =	rddreg [dreg:$0x0];
	s2 =	stileid.u32  }
0x84: {  	s1 =	rddreg [dreg:$0x1];
	p0 =	sne.s32 s2, $0x0  }
0x85: {  	s3 =	rddreg [dreg:$0x2];
	[bflag:$0x3] =	sbarrier.arrive $0xFFFF;
	s2 =	simm.s32 @!p0 $0x1C05  }
0x86: {  	[timem:s3], [sflag:s2] =	dma.local @!p0 [hbm:s0], s1  }
0x87: {  	s0 =	simm.s32 @!p0 $0x5  }
0x88: {  	_ =	swait.ge @!p0 [sflag:s0], s1  }
0x89: {  	s1 =	ssub.s32 @!p0 $0x0, s1;
	[sflag:s0] =	ssyncset.done @!p0 $0x0  }
0x8a: {  	[sflag:s0] =	ssyncadd.s32 @!p0 s1  }
0x8b: {  	[bflag:$0x3] =	sbarrier.arrive $0xFFFF  }
0x8c: {  	_ =	shalt  }

</sc_bundles>
